<compile_context>
chip_gen: v7x
topology: tpu7x:2x2x1
jax: 0.10.2.dev20260603
libtpu: 0.0.44.dev20260713+nightly
codegen_flags: <defaults>
</compile_context>

<pallas_src>
import functools

import jax
import jax.numpy as jnp
import numpy as np
from jax.experimental import pallas as pl
from jax.experimental.pallas import tpu as pltpu
from jax.experimental.pallas import tpu_sc as plsc

_THRESH = 0.7
_N_PRE = 12000
_N_POST = 2000
_MIN_SIZE = 16.0
_STRIDE = 16
_LANE = 128


def _anchor_np(hh, ww):
    base_size, ratios, scales = 16, (0.5, 1, 2), (8, 16, 32)
    py = base_size / 2.0
    px = base_size / 2.0
    ab = np.zeros((len(ratios) * len(scales), 4), dtype=np.float32)
    for i in range(len(ratios)):
        for j in range(len(scales)):
            h = base_size * scales[j] * np.sqrt(ratios[i])
            w = base_size * scales[j] * np.sqrt(1.0 / ratios[i])
            idx = i * len(scales) + j
            ab[idx, 0] = py - h / 2.0
            ab[idx, 1] = px - w / 2.0
            ab[idx, 2] = py + h / 2.0
            ab[idx, 3] = px + w / 2.0
    shift_y = np.arange(0, hh * _STRIDE, _STRIDE)
    shift_x = np.arange(0, ww * _STRIDE, _STRIDE)
    sx, sy = np.meshgrid(shift_x, shift_y)
    shift = np.stack((sy.ravel(), sx.ravel(), sy.ravel(), sx.ravel()), axis=1)
    A = ab.shape[0]
    K = shift.shape[0]
    anc = ab.reshape((1, A, 4)) + shift.reshape((1, K, 4)).transpose((1, 0, 2))
    return anc.reshape((K * A, 4)).astype(np.float32)


def _loc2bbox(src, loc):
    sh = src[:, 2] - src[:, 0]
    sw = src[:, 3] - src[:, 1]
    scy = src[:, 0] + 0.5 * sh
    scx = src[:, 1] + 0.5 * sw
    dy = loc[:, 0]
    dx = loc[:, 1]
    dh = loc[:, 2]
    dw = loc[:, 3]
    cy = dy * sh + scy
    cx = dx * sw + scx
    h = jnp.exp(dh) * sh
    w = jnp.exp(dw) * sw
    return jnp.stack([cy - 0.5 * h, cx - 0.5 * w, cy + 0.5 * h, cx + 0.5 * w], axis=1)


def _conv2d(x, W, b, pad):
    y = jax.lax.conv_general_dilated(x, W, (1, 1), pad, dimension_numbers=("NCHW", "OIHW", "NCHW"))
    return y + b[None, :, None, None]


def _make_nms_kernel(nb, n_post, thresh):

    def nms_kernel(y1_ref, x1_ref, y2_ref, x2_ref, v_ref, keep_ref, supp_ref):
        keep_ref[...] = jnp.zeros_like(keep_ref)
        supp_ref[...] = jnp.zeros_like(supp_ref)
        subi = jax.lax.broadcasted_iota(jnp.int32, (_LANE, _LANE), 0)
        lane = jax.lax.broadcasted_iota(jnp.int32, (_LANE, _LANE), 1)
        eye = (subi == lane).astype(jnp.float32)
        tril = (subi < lane).astype(jnp.float32)

        def tcol(row):
            return jnp.sum(eye * row, axis=1, keepdims=True)

        def iou_gt(cy1, cx1, cy2, cx2, ry1, rx1, ry2, rx2):
            yy1 = jnp.maximum(cy1, ry1)
            xx1 = jnp.maximum(cx1, rx1)
            yy2 = jnp.minimum(cy2, ry2)
            xx2 = jnp.minimum(cx2, rx2)
            inter = jnp.maximum(yy2 - yy1, 0.0) * jnp.maximum(xx2 - xx1, 0.0)
            a_c = (cy2 - cy1) * (cx2 - cx1)
            a_r = (ry2 - ry1) * (rx2 - rx1)
            iou = inter / jnp.maximum(a_c + a_r - inter, 1e-9)
            return (iou > thresh).astype(jnp.float32)

        def outer_cond(c):
            k, count = c
            return jnp.logical_and(k < nb, count < n_post)

        def outer_body(c):
            k, count = c
            ry1 = y1_ref[pl.ds(k, 1), :]
            rx1 = x1_ref[pl.ds(k, 1), :]
            ry2 = y2_ref[pl.ds(k, 1), :]
            rx2 = x2_ref[pl.ds(k, 1), :]
            rv = v_ref[pl.ds(k, 1), :]
            base_row = rv * (1.0 - supp_ref[pl.ds(k, 1), :])
            cy1 = tcol(ry1)
            cx1 = tcol(rx1)
            cy2 = tcol(ry2)
            cx2 = tcol(rx2)
            Gl = iou_gt(cy1, cx1, cy2, cx2, ry1, rx1, ry2, rx2) * tril

            def fx_cond(fc):
                _, changed = fc
                return changed

            def fx_body(fc):
                keep_row, _ = fc
                sup = jnp.max(Gl * tcol(keep_row), axis=0, keepdims=True)
                new = base_row * (1.0 - sup)
                return new, jnp.any(new != keep_row)

            keep_row, _ = jax.lax.while_loop(fx_cond, fx_body, (base_row, jnp.bool_(True)))
            keep_ref[pl.ds(k, 1), :] = keep_row
            kc = tcol(keep_row)

            def fwd_body(l, _):
                ly1 = y1_ref[pl.ds(l, 1), :]
                lx1 = x1_ref[pl.ds(l, 1), :]
                ly2 = y2_ref[pl.ds(l, 1), :]
                lx2 = x2_ref[pl.ds(l, 1), :]
                g = iou_gt(cy1, cx1, cy2, cx2, ly1, lx1, ly2, lx2)
                sup_l = jnp.max(g * kc, axis=0, keepdims=True)
                supp_ref[pl.ds(l, 1), :] = jnp.maximum(supp_ref[pl.ds(l, 1), :], sup_l)
                return 0

            jax.lax.fori_loop(k + 1, nb, fwd_body, 0)
            return k + 1, count + jnp.sum(keep_row).astype(jnp.int32)

        jax.lax.while_loop(outer_cond, outer_body, (jnp.int32(0), jnp.int32(0)))

    return nms_kernel


def _nms_pallas(y1s, x1s, y2s, x2s, vs, nb, n_post, thresh, interpret=False):
    n, rows, _ = y1s.shape
    spec = pl.BlockSpec((None, rows, _LANE), lambda i: (i, 0, 0))
    return pl.pallas_call(
        _make_nms_kernel(nb, n_post, thresh),
        grid=(n,),
        in_specs=[spec] * 5,
        out_specs=spec,
        out_shape=jax.ShapeDtypeStruct((n, rows, _LANE), jnp.float32),
        scratch_shapes=[pltpu.VMEM((rows, _LANE), jnp.float32)],
        interpret=interpret,
    )(y1s, x1s, y2s, x2s, vs)


def _sc_gather_rows(table, idx):
    info = plsc.get_sparse_core_info()
    nc, ns = info.num_cores, info.num_subcores
    nw = nc * ns
    B = idx.shape[0]
    b_per_w = B // nw
    mesh = plsc.VectorSubcoreMesh(core_axis_name="c", subcore_axis_name="s")

    @functools.partial(
        pl.kernel,
        mesh=mesh,
        out_type=jax.ShapeDtypeStruct((B, table.shape[1]), jnp.float32),
        scratch_types=[
            pltpu.VMEM((b_per_w,), jnp.int32),
            pltpu.VMEM((b_per_w, table.shape[1]), jnp.float32),
            pltpu.SemaphoreType.DMA,
        ],
    )
    def k(table_hbm, idx_hbm, out_hbm, idx_v, rows_v, sem):
        wid = jax.lax.axis_index("s") * nc + jax.lax.axis_index("c")
        base = wid * b_per_w
        pltpu.sync_copy(idx_hbm.at[pl.ds(base, b_per_w)], idx_v)
        pltpu.async_copy(table_hbm.at[idx_v], rows_v, sem).wait()
        pltpu.sync_copy(rows_v, out_hbm.at[pl.ds(base, b_per_w)])

    return k(table, idx)


def kernel(x, img_size, W1, b1, Ws, bs, Wl, bl):
    n, _, hh, ww = x.shape
    anchor = jnp.asarray(_anchor_np(hh, ww))
    n_anchor = 9
    h = jax.nn.relu(_conv2d(x, W1, b1, "SAME"))
    rpn_locs = _conv2d(h, Wl, bl, "VALID").transpose(0, 2, 3, 1).reshape(n, -1, 4)
    rpn_scores_map = _conv2d(h, Ws, bs, "VALID").transpose(0, 2, 3, 1)
    soft = jax.nn.softmax(rpn_scores_map.reshape(n, hh, ww, n_anchor, 2), axis=4)
    rpn_fg = soft[..., 1].reshape(n, -1)
    rpn_scores = rpn_scores_map.reshape(n, -1, 2)
    H = img_size[0].astype(jnp.float32)
    W = img_size[1].astype(jnp.float32)

    nb = -(-_N_PRE // _LANE)
    rows = -(-nb // 8) * 8
    pad = rows * _LANE - _N_PRE

    n_total = anchor.shape[0]
    v_pad = -(-n_total // 8) * 8 - n_total
    b_sorted = -(-_N_PRE // 256) * 256

    coords, valids, roi_s_list = [], [], []
    for i in range(n):
        roi = _loc2bbox(anchor, rpn_locs[i])
        y1 = jnp.clip(roi[:, 0], 0.0, H)
        x1 = jnp.clip(roi[:, 1], 0.0, W)
        y2 = jnp.clip(roi[:, 2], 0.0, H)
        x2 = jnp.clip(roi[:, 3], 0.0, W)
        roi = jnp.stack([y1, x1, y2, x2], axis=1)
        hs = roi[:, 2] - roi[:, 0]
        ws_ = roi[:, 3] - roi[:, 1]
        valid = (hs >= _MIN_SIZE) & (ws_ >= _MIN_SIZE)
        score = jnp.where(valid, rpn_fg[i], -jnp.inf)
        order = jnp.argsort(-score)[:_N_PRE]
        table = jnp.concatenate(
            [roi, valid.astype(jnp.float32)[:, None], jnp.zeros((n_total, 123), jnp.float32)],
            axis=1,
        )
        table = jnp.pad(table, ((0, v_pad), (0, 0)))
        idx_p = jnp.pad(order.astype(jnp.int32), (0, b_sorted - _N_PRE))
        g = _sc_gather_rows(table, idx_p)
        real = jnp.arange(b_sorted) < _N_PRE
        roi_s = g[:_N_PRE, :4]
        valid_s = jnp.where(real, g[:, 4] > 0.5, False)
        roi_s_list.append(roi_s)
        cpad = jnp.pad(g[:, :4], ((0, rows * _LANE - b_sorted), (0, 0))).reshape(rows, _LANE, 4)
        coords.append(cpad)
        valids.append(
            jnp.pad(valid_s.astype(jnp.float32), (0, rows * _LANE - b_sorted)).reshape(rows, _LANE)
        )

    cs = jnp.stack(coords)
    vs = jnp.stack(valids)
    keep = _nms_pallas(
        cs[..., 0], cs[..., 1], cs[..., 2], cs[..., 3], vs, nb, _N_POST, _THRESH
    )

    rois, roi_indices = [], []
    for i in range(n):
        keep_i = keep[i].reshape(-1)[:_N_PRE] > 0.5
        idx = jnp.nonzero(keep_i, size=_N_POST, fill_value=0)[0]
        rois.append(roi_s_list[i][idx])
        roi_indices.append(jnp.full((_N_POST,), i, dtype=jnp.int32))
    rois = jnp.concatenate(rois, axis=0)
    roi_indices = jnp.concatenate(roi_indices, axis=0)
    return (rpn_locs, rpn_scores, rois, roi_indices, anchor)

# --- scband reference (transcript-rebuilt; emitter-appended) ---
"""Pipeline reference for scband-rpn-55293408968766 (READ-ONLY COPY).

The authoritative reference and input builder live on the scoring server;
editing this copy changes nothing except your own understanding.
"""

import jax, jax.numpy as jnp
import numpy as np


def generate_anchor_base(base_size=16, ratios=(0.5, 1, 2), anchor_scales=(8, 16, 32)):
    py = base_size / 2.0
    px = base_size / 2.0
    ab = np.zeros((len(ratios) * len(anchor_scales), 4), dtype=np.float32)
    for i in range(len(ratios)):
        for j in range(len(anchor_scales)):
            h = base_size * anchor_scales[j] * np.sqrt(ratios[i])
            w = base_size * anchor_scales[j] * np.sqrt(1.0 / ratios[i])
            idx = i * len(anchor_scales) + j
            ab[idx, 0] = py - h / 2.0
            ab[idx, 1] = px - w / 2.0
            ab[idx, 2] = py + h / 2.0
            ab[idx, 3] = px + w / 2.0
    return ab


def enumerate_shifted_anchor(anchor_base, feat_stride, height, width):
    shift_y = np.arange(0, height * feat_stride, feat_stride)
    shift_x = np.arange(0, width * feat_stride, feat_stride)
    sx, sy = np.meshgrid(shift_x, shift_y)
    shift = np.stack((sy.ravel(), sx.ravel(), sy.ravel(), sx.ravel()), axis=1)
    A = anchor_base.shape[0]
    K = shift.shape[0]
    anchor = anchor_base.reshape((1, A, 4)) + shift.reshape((1, K, 4)).transpose((1, 0, 2))
    return anchor.reshape((K * A, 4)).astype(np.float32)


def loc2bbox(src_bbox, loc):
    sh = src_bbox[:, 2] - src_bbox[:, 0]
    sw = src_bbox[:, 3] - src_bbox[:, 1]
    scy = src_bbox[:, 0] + 0.5 * sh
    scx = src_bbox[:, 1] + 0.5 * sw
    dy = loc[:, 0]
    dx = loc[:, 1]
    dh = loc[:, 2]
    dw = loc[:, 3]
    cy = dy * sh + scy
    cx = dx * sw + scx
    h = jnp.exp(dh) * sh
    w = jnp.exp(dw) * sw
    return jnp.stack([cy - 0.5 * h, cx - 0.5 * w, cy + 0.5 * h, cx + 0.5 * w], axis=1)


def conv2d(x, W, b, pad):
    y = jax.lax.conv_general_dilated(x, W, (1, 1), pad, dimension_numbers=('NCHW', 'OIHW', 'NCHW'))
    return y + b[None, :, None, None]


def nms_keep(boxes, valid, thresh):
    y1 = boxes[:, 0]
    x1 = boxes[:, 1]
    y2 = boxes[:, 2]
    x2 = boxes[:, 3]
    areas = (y2 - y1) * (x2 - x1)
    n = boxes.shape[0]

    def body(i, keep):
        yy1 = jnp.maximum(y1[i], y1)
        xx1 = jnp.maximum(x1[i], x1)
        yy2 = jnp.minimum(y2[i], y2)
        xx2 = jnp.minimum(x2[i], x2)
        inter = jnp.clip(yy2 - yy1, 0.0) * jnp.clip(xx2 - xx1, 0.0)
        iou = inter / jnp.maximum(areas[i] + areas - inter, 1e-9)
        supp = (iou > thresh) & keep[i]
        supp = supp.at[i].set(False)
        return keep & (~supp)

    return jax.lax.fori_loop(0, n, body, valid)


def setup_inputs(seed: int = 0):
    key = jax.random.key(seed)
    ks = jax.random.split(key, 4)
    x = jax.random.normal(ks[0], (2, 512, 50, 50), dtype=jnp.float32)
    W1 = jax.random.normal(ks[1], (512, 512, 3, 3), dtype=jnp.float32) * 0.01
    b1 = jnp.zeros((512,), dtype=jnp.float32)
    Ws = jax.random.normal(ks[2], (18, 512, 1, 1), dtype=jnp.float32) * 0.01
    bs = jnp.zeros((18,), dtype=jnp.float32)
    Wl = jax.random.normal(ks[3], (36, 512, 1, 1), dtype=jnp.float32) * 0.01
    bl = jnp.zeros((36,), dtype=jnp.float32)
    img_size = jnp.array([800, 800], dtype=jnp.int32)
    return {"x": x, "img_size": img_size, "W1": W1, "b1": b1, "Ws": Ws, "bs": bs, "Wl": Wl, "bl": bl}


def reference(x, img_size, W1, b1, Ws, bs, Wl, bl):
    feat_stride = 16
    scale = 1.0
    nms_thresh = 0.7
    n_pre_nms = 12000
    n_post_nms = 2000
    min_size = 16.0 * scale
    n, _, hh, ww = x.shape
    anchor = jnp.asarray(enumerate_shifted_anchor(generate_anchor_base(), feat_stride, hh, ww))
    h = jax.nn.relu(conv2d(x, W1, b1, 'SAME'))
    rpn_locs = conv2d(h, Wl, bl, 'VALID').transpose(0, 2, 3, 1).reshape(n, -1, 4)
    rpn_scores_map = conv2d(h, Ws, bs, 'VALID').transpose(0, 2, 3, 1)
    n_anchor = 9
    soft = jax.nn.softmax(rpn_scores_map.reshape(n, hh, ww, n_anchor, 2), axis=4)
    rpn_fg = soft[..., 1].reshape(n, -1)
    rpn_scores = rpn_scores_map.reshape(n, -1, 2)
    H = img_size[0].astype(jnp.float32)
    W = img_size[1].astype(jnp.float32)
    rois = []
    roi_indices = []
    for i in range(n):
        roi = loc2bbox(anchor, rpn_locs[i])
        y1 = jnp.clip(roi[:, 0], 0.0, H)
        x1 = jnp.clip(roi[:, 1], 0.0, W)
        y2 = jnp.clip(roi[:, 2], 0.0, H)
        x2 = jnp.clip(roi[:, 3], 0.0, W)
        roi = jnp.stack([y1, x1, y2, x2], axis=1)
        hs = roi[:, 2] - roi[:, 0]
        ws_ = roi[:, 3] - roi[:, 1]
        valid = (hs >= min_size) & (ws_ >= min_size)
        score = jnp.where(valid, rpn_fg[i], -jnp.inf)
        order = jnp.argsort(-score)[:n_pre_nms]
        roi_s = roi[order]
        valid_s = valid[order]
        keep = nms_keep(roi_s, valid_s, nms_thresh)
        idx = jnp.nonzero(keep, size=n_post_nms, fill_value=0)[0]
        rois.append(roi_s[idx])
        roi_indices.append(jnp.full((n_post_nms,), i, dtype=jnp.int32))
    rois = jnp.concatenate(rois, axis=0)
    roi_indices = jnp.concatenate(roi_indices, axis=0)
    return (rpn_locs, rpn_scores, rois, roi_indices, anchor)

if __name__ == "__main__":
    import jax
    _d = setup_inputs()
    print(jax.jit(kernel)(*tuple(_d.values())))

</pallas_src>

<mosaic_0001>
#map = affine_map<(d0, d1) -> (0, 0)>
#map1 = affine_map<(d0, d1) -> (0)>
module attributes {stable_mosaic.version = 14 : i64} {
  func.func @k(%arg0: i32, %arg1: i32, %arg2: memref<22504x128xf32, #tpu.memory_space<hbm>>, %arg3: memref<12032xi32, #tpu.memory_space<hbm>>, %arg4: memref<12032x128xf32, #tpu.memory_space<hbm>>, %arg5: memref<376xi32, #tpu.memory_space<vmem>>, %arg6: memref<376x128xf32, #tpu.memory_space<vmem>>, %arg7: memref<!tpu.dma_semaphore, #tpu.memory_space<semaphore_mem>>) attributes {dimension_semantics = [#tpu.dimension_semantics<core_parallel>, #tpu.dimension_semantics<subcore_parallel>], iteration_bounds = array<i64: 2, 16>, scalar_prefetch = 0 : i64, scratch_operands = 3 : i64, tpu.core_type = #tpu.core_type<sc_vector_subcore>, window_params = [{transform_indices = #map}, {transform_indices = #map1}, {transform_indices = #map}]} {
    %mul3A = arith.constant 2 : i32
    %mul3A_0 = arith.muli %arg1, %mul3A : i32
    %add3A = arith.addi %mul3A_0, %arg0 : i32
    %mul3A_1 = arith.constant 376 : i32
    %mul3A_2 = arith.muli %add3A, %mul3A_1 : i32
    "tpu.region"() ({
      %run_scoped3A = tpu.sem_alloc : memref<!tpu.dma_semaphore, #tpu.memory_space<semaphore_mem>>
      %dma_start3A_7 = tpu.memref_slice %arg3[%mul3A_2] : memref<12032xi32, #tpu.memory_space<hbm>> -> memref<376xi32, #tpu.memory_space<hbm>>
      %dma_start3A_8 = tpu.memref_slice %arg3[%mul3A_2] : memref<12032xi32, #tpu.memory_space<hbm>> -> memref<376xi32, #tpu.memory_space<hbm>>
      tpu.enqueue_dma source(%dma_start3A_8 : memref<376xi32, #tpu.memory_space<hbm>>) target(%arg5 : memref<376xi32, #tpu.memory_space<vmem>>) target_semaphore(%run_scoped3A : memref<!tpu.dma_semaphore, #tpu.memory_space<semaphore_mem>>)
      %dma_wait3A_9 = tpu.memref_slice %arg3[%mul3A_2] : memref<12032xi32, #tpu.memory_space<hbm>> -> memref<376xi32, #tpu.memory_space<hbm>>
      %dma_wait3A_10 = tpu.memref_slice %arg3[%mul3A_2] : memref<12032xi32, #tpu.memory_space<hbm>> -> memref<376xi32, #tpu.memory_space<hbm>>
      tpu.wait_dma2 semaphore(%run_scoped3A : memref<!tpu.dma_semaphore, #tpu.memory_space<semaphore_mem>>) src(%dma_wait3A_10 : memref<376xi32, #tpu.memory_space<hbm>>) dst(%arg5 : memref<376xi32, #tpu.memory_space<vmem>>)
      tpu.yield
    }) : () -> ()
    %dma_start3A = arith.constant 0 : i32
    %dma_start3A_3 = arith.constant 0 : i32
    %dma_start3A_4 = tpu.memref_slice %arg2[%dma_start3A, %dma_start3A_3] : memref<22504x128xf32, #tpu.memory_space<hbm>> -> memref<22504x128xf32, #tpu.memory_space<hbm>>
    tpu.enqueue_indirect_dma source(%dma_start3A_4 : memref<22504x128xf32, #tpu.memory_space<hbm>>) target(%arg6 : memref<376x128xf32, #tpu.memory_space<vmem>>) offsets(%arg5 : memref<376xi32, #tpu.memory_space<vmem>>) semaphore(%arg7 : memref<!tpu.dma_semaphore, #tpu.memory_space<semaphore_mem>>)
    %dma_wait3A = arith.constant 0 : i32
    %dma_wait3A_5 = arith.constant 0 : i32
    %dma_wait3A_6 = tpu.memref_slice %arg2[%dma_wait3A, %dma_wait3A_5] : memref<22504x128xf32, #tpu.memory_space<hbm>> -> memref<22504x128xf32, #tpu.memory_space<hbm>>
    tpu.wait_indirect_dma semaphore(%arg7 : memref<!tpu.dma_semaphore, #tpu.memory_space<semaphore_mem>>) src(%dma_wait3A_6 : memref<22504x128xf32, #tpu.memory_space<hbm>>) dst(%arg6 : memref<376x128xf32, #tpu.memory_space<vmem>>)
    "tpu.region"() ({
      %run_scoped3A = tpu.sem_alloc : memref<!tpu.dma_semaphore, #tpu.memory_space<semaphore_mem>>
      %dma_start3A_7 = arith.constant 0 : i32
      %dma_start3A_8 = tpu.memref_slice %arg4[%mul3A_2, %dma_start3A_7] : memref<12032x128xf32, #tpu.memory_space<hbm>> -> memref<376x128xf32, #tpu.memory_space<hbm>>
      %dma_start3A_9 = arith.constant 0 : i32
      %dma_start3A_10 = tpu.memref_slice %arg4[%mul3A_2, %dma_start3A_9] : memref<12032x128xf32, #tpu.memory_space<hbm>> -> memref<376x128xf32, #tpu.memory_space<hbm>>
      tpu.enqueue_dma source(%arg6 : memref<376x128xf32, #tpu.memory_space<vmem>>) target(%dma_start3A_10 : memref<376x128xf32, #tpu.memory_space<hbm>>) target_semaphore(%run_scoped3A : memref<!tpu.dma_semaphore, #tpu.memory_space<semaphore_mem>>)
      %dma_wait3A_11 = arith.constant 0 : i32
      %dma_wait3A_12 = tpu.memref_slice %arg4[%mul3A_2, %dma_wait3A_11] : memref<12032x128xf32, #tpu.memory_space<hbm>> -> memref<376x128xf32, #tpu.memory_space<hbm>>
      %dma_wait3A_13 = arith.constant 0 : i32
      %dma_wait3A_14 = tpu.memref_slice %arg4[%mul3A_2, %dma_wait3A_13] : memref<12032x128xf32, #tpu.memory_space<hbm>> -> memref<376x128xf32, #tpu.memory_space<hbm>>
      tpu.wait_dma2 semaphore(%run_scoped3A : memref<!tpu.dma_semaphore, #tpu.memory_space<semaphore_mem>>) src(%arg6 : memref<376x128xf32, #tpu.memory_space<vmem>>) dst(%dma_wait3A_14 : memref<376x128xf32, #tpu.memory_space<hbm>>)
      tpu.yield
    }) : () -> ()
    return
  }
}

#map = affine_map<(d0, d1) -> (0, 0)>
#map1 = affine_map<(d0, d1) -> (0)>
module attributes {stable_mosaic.version = 14 : i64} {
  func.func @k(%arg0: i32, %arg1: i32, %arg2: memref<22504x128xf32, #tpu.memory_space<hbm>>, %arg3: memref<12032xi32, #tpu.memory_space<hbm>>, %arg4: memref<12032x128xf32, #tpu.memory_space<hbm>>, %arg5: memref<376xi32, #tpu.memory_space<vmem>>, %arg6: memref<376x128xf32, #tpu.memory_space<vmem>>, %arg7: memref<!tpu.dma_semaphore, #tpu.memory_space<semaphore_mem>>) attributes {dimension_semantics = [#tpu.dimension_semantics<core_parallel>, #tpu.dimension_semantics<subcore_parallel>], iteration_bounds = array<i64: 2, 16>, scalar_prefetch = 0 : i64, scratch_operands = 3 : i64, tpu.core_type = #tpu.core_type<sc_vector_subcore>, window_params = [{transform_indices = #map}, {transform_indices = #map1}, {transform_indices = #map}]} {
    %mul3A = arith.constant 2 : i32
    %mul3A_0 = arith.muli %arg1, %mul3A : i32
    %add3A = arith.addi %mul3A_0, %arg0 : i32
    %mul3A_1 = arith.constant 376 : i32
    %mul3A_2 = arith.muli %add3A, %mul3A_1 : i32
    "tpu.region"() ({
      %run_scoped3A = tpu.sem_alloc : memref<!tpu.dma_semaphore, #tpu.memory_space<semaphore_mem>>
      %dma_start3A_7 = tpu.memref_slice %arg3[%mul3A_2] : memref<12032xi32, #tpu.memory_space<hbm>> -> memref<376xi32, #tpu.memory_space<hbm>>
      %dma_start3A_8 = tpu.memref_slice %arg3[%mul3A_2] : memref<12032xi32, #tpu.memory_space<hbm>> -> memref<376xi32, #tpu.memory_space<hbm>>
      tpu.enqueue_dma source(%dma_start3A_8 : memref<376xi32, #tpu.memory_space<hbm>>) target(%arg5 : memref<376xi32, #tpu.memory_space<vmem>>) target_semaphore(%run_scoped3A : memref<!tpu.dma_semaphore, #tpu.memory_space<semaphore_mem>>)
      %dma_wait3A_9 = tpu.memref_slice %arg3[%mul3A_2] : memref<12032xi32, #tpu.memory_space<hbm>> -> memref<376xi32, #tpu.memory_space<hbm>>
      %dma_wait3A_10 = tpu.memref_slice %arg3[%mul3A_2] : memref<12032xi32, #tpu.memory_space<hbm>> -> memref<376xi32, #tpu.memory_space<hbm>>
      tpu.wait_dma2 semaphore(%run_scoped3A : memref<!tpu.dma_semaphore, #tpu.memory_space<semaphore_mem>>) src(%dma_wait3A_10 : memref<376xi32, #tpu.memory_space<hbm>>) dst(%arg5 : memref<376xi32, #tpu.memory_space<vmem>>)
      tpu.yield
    }) : () -> ()
    %dma_start3A = arith.constant 0 : i32
    %dma_start3A_3 = arith.constant 0 : i32
    %dma_start3A_4 = tpu.memref_slice %arg2[%dma_start3A, %dma_start3A_3] : memref<22504x128xf32, #tpu.memory_space<hbm>> -> memref<22504x128xf32, #tpu.memory_space<hbm>>
    tpu.enqueue_indirect_dma source(%dma_start3A_4 : memref<22504x128xf32, #tpu.memory_space<hbm>>) target(%arg6 : memref<376x128xf32, #tpu.memory_space<vmem>>) offsets(%arg5 : memref<376xi32, #tpu.memory_space<vmem>>) semaphore(%arg7 : memref<!tpu.dma_semaphore, #tpu.memory_space<semaphore_mem>>)
    %dma_wait3A = arith.constant 0 : i32
    %dma_wait3A_5 = arith.constant 0 : i32
    %dma_wait3A_6 = tpu.memref_slice %arg2[%dma_wait3A, %dma_wait3A_5] : memref<22504x128xf32, #tpu.memory_space<hbm>> -> memref<22504x128xf32, #tpu.memory_space<hbm>>
    tpu.wait_indirect_dma semaphore(%arg7 : memref<!tpu.dma_semaphore, #tpu.memory_space<semaphore_mem>>) src(%dma_wait3A_6 : memref<22504x128xf32, #tpu.memory_space<hbm>>) dst(%arg6 : memref<376x128xf32, #tpu.memory_space<vmem>>)
    "tpu.region"() ({
      %run_scoped3A = tpu.sem_alloc : memref<!tpu.dma_semaphore, #tpu.memory_space<semaphore_mem>>
      %dma_start3A_7 = arith.constant 0 : i32
      %dma_start3A_8 = tpu.memref_slice %arg4[%mul3A_2, %dma_start3A_7] : memref<12032x128xf32, #tpu.memory_space<hbm>> -> memref<376x128xf32, #tpu.memory_space<hbm>>
      %dma_start3A_9 = arith.constant 0 : i32
      %dma_start3A_10 = tpu.memref_slice %arg4[%mul3A_2, %dma_start3A_9] : memref<12032x128xf32, #tpu.memory_space<hbm>> -> memref<376x128xf32, #tpu.memory_space<hbm>>
      tpu.enqueue_dma source(%arg6 : memref<376x128xf32, #tpu.memory_space<vmem>>) target(%dma_start3A_10 : memref<376x128xf32, #tpu.memory_space<hbm>>) target_semaphore(%run_scoped3A : memref<!tpu.dma_semaphore, #tpu.memory_space<semaphore_mem>>)
      %dma_wait3A_11 = arith.constant 0 : i32
      %dma_wait3A_12 = tpu.memref_slice %arg4[%mul3A_2, %dma_wait3A_11] : memref<12032x128xf32, #tpu.memory_space<hbm>> -> memref<376x128xf32, #tpu.memory_space<hbm>>
      %dma_wait3A_13 = arith.constant 0 : i32
      %dma_wait3A_14 = tpu.memref_slice %arg4[%mul3A_2, %dma_wait3A_13] : memref<12032x128xf32, #tpu.memory_space<hbm>> -> memref<376x128xf32, #tpu.memory_space<hbm>>
      tpu.wait_dma2 semaphore(%run_scoped3A : memref<!tpu.dma_semaphore, #tpu.memory_space<semaphore_mem>>) src(%arg6 : memref<376x128xf32, #tpu.memory_space<vmem>>) dst(%dma_wait3A_14 : memref<376x128xf32, #tpu.memory_space<hbm>>)
      tpu.yield
    }) : () -> ()
    return
  }
}

module attributes {stable_mosaic.version = 14 : i64} {
  func.func @nms_kernel(%arg0: i32, %arg1: memref<1x96x128xf32, #tpu.memory_space<vmem>>, %arg2: memref<1x96x128xf32, #tpu.memory_space<vmem>>, %arg3: memref<1x96x128xf32, #tpu.memory_space<vmem>>, %arg4: memref<1x96x128xf32, #tpu.memory_space<vmem>>, %arg5: memref<1x96x128xf32, #tpu.memory_space<vmem>>, %arg6: memref<1x96x128xf32, #tpu.memory_space<vmem>>, %arg7: memref<96x128xf32, #tpu.memory_space<vmem>>) attributes {dimension_semantics = [#tpu.dimension_semantics<arbitrary>], iteration_bounds = array<i64: 2>, scalar_prefetch = 0 : i64, scratch_operands = 1 : i64, tpu.core_type = #tpu.core_type<tc>, window_params = [{transform_indices = @transform_0, window_bounds = array<i64: 1, 96, 128>}, {transform_indices = @transform_1, window_bounds = array<i64: 1, 96, 128>}, {transform_indices = @transform_2, window_bounds = array<i64: 1, 96, 128>}, {transform_indices = @transform_3, window_bounds = array<i64: 1, 96, 128>}, {transform_indices = @transform_4, window_bounds = array<i64: 1, 96, 128>}, {transform_indices = @transform_5, window_bounds = array<i64: 1, 96, 128>}]} {
    %broadcast_in_dim3A = arith.constant 0.000000e+00 : f32
    %broadcast_in_dim3A_0 = vector.broadcast %broadcast_in_dim3A : f32 to vector<96x128xf32>
    %swap3A = arith.constant 0 : index
    %swap3A_1 = arith.constant 0 : index
    %swap3A_2 = arith.constant 0 : index
    %swap3A_3 = vector.load %arg6[%swap3A, %swap3A_1, %swap3A_2] : memref<1x96x128xf32, #tpu.memory_space<vmem>>, vector<1x96x128xf32>
    %swap3A_4 = vector.shape_cast %swap3A_3 : vector<1x96x128xf32> to vector<96x128xf32>
    %swap3A_5 = vector.shape_cast %broadcast_in_dim3A_0 : vector<96x128xf32> to vector<1x96x128xf32>
    tpu.vector_store %arg6[%swap3A, %swap3A_1, %swap3A_2], %swap3A_5 {strides = array<i32>} : memref<1x96x128xf32, #tpu.memory_space<vmem>>, vector<1x96x128xf32>,
    %broadcast_in_dim3A_6 = arith.constant 0.000000e+00 : f32
    %broadcast_in_dim3A_7 = vector.broadcast %broadcast_in_dim3A_6 : f32 to vector<96x128xf32>
    %swap3A_8 = arith.constant 0 : index
    %swap3A_9 = arith.constant 0 : index
    %swap3A_10 = vector.load %arg7[%swap3A_8, %swap3A_9] : memref<96x128xf32, #tpu.memory_space<vmem>>, vector<96x128xf32>
    tpu.vector_store %arg7[%swap3A_8, %swap3A_9], %broadcast_in_dim3A_7 {strides = array<i32>} : memref<96x128xf32, #tpu.memory_space<vmem>>, vector<96x128xf32>,
    %iota3A = tpu.iota {dimensions = array<i32: 0>} : vector<128x128xi32>
    %iota3A_11 = tpu.iota {dimensions = array<i32: 1>} : vector<128x128xi32>
    %eq3A = arith.cmpi eq, %iota3A, %iota3A_11 : vector<128x128xi32>
    %convert_element_type3A = arith.extui %eq3A : vector<128x128xi1> to vector<128x128xi32>
    %convert_element_type3A_12 = arith.sitofp %convert_element_type3A : vector<128x128xi32> to vector<128x128xf32>
    %lt3A = arith.cmpi slt, %iota3A, %iota3A_11 : vector<128x128xi32>
    %convert_element_type3A_13 = arith.extui %lt3A : vector<128x128xi1> to vector<128x128xi32>
    %convert_element_type3A_14 = arith.sitofp %convert_element_type3A_13 : vector<128x128xi32> to vector<128x128xf32>
    %while3A = arith.constant 0 : i32
    %while3A_15 = arith.constant 0 : i32
    %while3A_16:2 = scf.while (%while3A_17 = %while3A, %while3A_18 = %while3A_15) : (i32, i32) -> (i32, i32) {
      %lt3A_19 = arith.constant 94 : i32
      %lt3A_20 = arith.cmpi slt, %while3A_17, %lt3A_19 : i32
      %lt3A_21 = arith.constant 2000 : i32
      %lt3A_22 = arith.cmpi slt, %while3A_18, %lt3A_21 : i32
      %and3A = arith.andi %lt3A_20, %lt3A_22 : i1
      scf.condition(%and3A) %while3A_17, %while3A_18 : i32, i32
    } do {
    ^bb0(%while3A_17: i32, %while3A_18: i32):
      %get3A = arith.constant 0 : index
      %get3A_19 = arith.index_cast %while3A_17 : i32 to index
      %get3A_20 = arith.constant 0 : index
      %get3A_21 = vector.load %arg1[%get3A, %get3A_19, %get3A_20] : memref<1x96x128xf32, #tpu.memory_space<vmem>>, vector<1x1x128xf32>
      %get3A_22 = vector.shape_cast %get3A_21 : vector<1x1x128xf32> to vector<1x128xf32>
      %get3A_23 = arith.constant 0 : index
      %get3A_24 = arith.index_cast %while3A_17 : i32 to index
      %get3A_25 = arith.constant 0 : index
      %get3A_26 = vector.load %arg2[%get3A_23, %get3A_24, %get3A_25] : memref<1x96x128xf32, #tpu.memory_space<vmem>>, vector<1x1x128xf32>
      %get3A_27 = vector.shape_cast %get3A_26 : vector<1x1x128xf32> to vector<1x128xf32>
      %get3A_28 = arith.constant 0 : index
      %get3A_29 = arith.index_cast %while3A_17 : i32 to index
      %get3A_30 = arith.constant 0 : index
      %get3A_31 = vector.load %arg3[%get3A_28, %get3A_29, %get3A_30] : memref<1x96x128xf32, #tpu.memory_space<vmem>>, vector<1x1x128xf32>
      %get3A_32 = vector.shape_cast %get3A_31 : vector<1x1x128xf32> to vector<1x128xf32>
      %get3A_33 = arith.constant 0 : index
      %get3A_34 = arith.index_cast %while3A_17 : i32 to index
      %get3A_35 = arith.constant 0 : index
      %get3A_36 = vector.load %arg4[%get3A_33, %get3A_34, %get3A_35] : memref<1x96x128xf32, #tpu.memory_space<vmem>>, vector<1x1x128xf32>
      %get3A_37 = vector.shape_cast %get3A_36 : vector<1x1x128xf32> to vector<1x128xf32>
      %get3A_38 = arith.constant 0 : index
      %get3A_39 = arith.index_cast %while3A_17 : i32 to index
      %get3A_40 = arith.constant 0 : index
      %get3A_41 = vector.load %arg5[%get3A_38, %get3A_39, %get3A_40] : memref<1x96x128xf32, #tpu.memory_space<vmem>>, vector<1x1x128xf32>
      %get3A_42 = vector.shape_cast %get3A_41 : vector<1x1x128xf32> to vector<1x128xf32>
      %get3A_43 = arith.index_cast %while3A_17 : i32 to index
      %get3A_44 = arith.constant 0 : index
      %get3A_45 = vector.load %arg7[%get3A_43, %get3A_44] : memref<96x128xf32, #tpu.memory_space<vmem>>, vector<1x128xf32>
      %sub3A = arith.constant 1.000000e+00 : f32
      %sub3A_46 = vector.broadcast %sub3A : f32 to vector<1x128xf32>
      %sub3A_47 = arith.subf %sub3A_46, %get3A_45 : vector<1x128xf32>
      %mul3A = arith.mulf %get3A_42, %sub3A_47 : vector<1x128xf32>
      %mul3A_48 = vector.broadcast %get3A_22 : vector<1x128xf32> to vector<128x128xf32>
      %mul3A_49 = arith.mulf %convert_element_type3A_12, %mul3A_48 : vector<128x128xf32>
      %reduce_sum3A = arith.constant dense<0.000000e+00> : vector<128xf32>
      %reduce_sum3A_50 = vector.multi_reduction <add>, %mul3A_49, %reduce_sum3A [1] : vector<128x128xf32> to vector<128xf32>
      %broadcast_in_dim3A_51 = vector.shape_cast %reduce_sum3A_50 : vector<128xf32> to vector<128x1xf32>
      %mul3A_52 = vector.broadcast %get3A_27 : vector<1x128xf32> to vector<128x128xf32>
      %mul3A_53 = arith.mulf %convert_element_type3A_12, %mul3A_52 : vector<128x128xf32>
      %reduce_sum3A_54 = arith.constant dense<0.000000e+00> : vector<128xf32>
      %reduce_sum3A_55 = vector.multi_reduction <add>, %mul3A_53, %reduce_sum3A_54 [1] : vector<128x128xf32> to vector<128xf32>
      %broadcast_in_dim3A_56 = vector.shape_cast %reduce_sum3A_55 : vector<128xf32> to vector<128x1xf32>
      %mul3A_57 = vector.broadcast %get3A_32 : vector<1x128xf32> to vector<128x128xf32>
      %mul3A_58 = arith.mulf %convert_element_type3A_12, %mul3A_57 : vector<128x128xf32>
      %reduce_sum3A_59 = arith.constant dense<0.000000e+00> : vector<128xf32>
      %reduce_sum3A_60 = vector.multi_reduction <add>, %mul3A_58, %reduce_sum3A_59 [1] : vector<128x128xf32> to vector<128xf32>
      %broadcast_in_dim3A_61 = vector.shape_cast %reduce_sum3A_60 : vector<128xf32> to vector<128x1xf32>
      %mul3A_62 = vector.broadcast %get3A_37 : vector<1x128xf32> to vector<128x128xf32>
      %mul3A_63 = arith.mulf %convert_element_type3A_12, %mul3A_62 : vector<128x128xf32>
      %reduce_sum3A_64 = arith.constant dense<0.000000e+00> : vector<128xf32>
      %reduce_sum3A_65 = vector.multi_reduction <add>, %mul3A_63, %reduce_sum3A_64 [1] : vector<128x128xf32> to vector<128xf32>
      %broadcast_in_dim3A_66 = vector.shape_cast %reduce_sum3A_65 : vector<128xf32> to vector<128x1xf32>
      %max3A = vector.broadcast %broadcast_in_dim3A_51 : vector<128x1xf32> to vector<128x128xf32>
      %max3A_67 = vector.broadcast %get3A_22 : vector<1x128xf32> to vector<128x128xf32>
      %max3A_68 = arith.maximumf %max3A, %max3A_67 : vector<128x128xf32>
      %max3A_69 = vector.broadcast %broadcast_in_dim3A_56 : vector<128x1xf32> to vector<128x128xf32>
      %max3A_70 = vector.broadcast %get3A_27 : vector<1x128xf32> to vector<128x128xf32>
      %max3A_71 = arith.maximumf %max3A_69, %max3A_70 : vector<128x128xf32>
      %min3A = vector.broadcast %broadcast_in_dim3A_61 : vector<128x1xf32> to vector<128x128xf32>
      %min3A_72 = vector.broadcast %get3A_32 : vector<1x128xf32> to vector<128x128xf32>
      %min3A_73 = arith.minimumf %min3A, %min3A_72 : vector<128x128xf32>
      %min3A_74 = vector.broadcast %broadcast_in_dim3A_66 : vector<128x1xf32> to vector<128x128xf32>
      %min3A_75 = vector.broadcast %get3A_37 : vector<1x128xf32> to vector<128x128xf32>
      %min3A_76 = arith.minimumf %min3A_74, %min3A_75 : vector<128x128xf32>
      %sub3A_77 = arith.subf %min3A_73, %max3A_68 : vector<128x128xf32>
      %max3A_78 = arith.constant 0.000000e+00 : f32
      %max3A_79 = vector.broadcast %max3A_78 : f32 to vector<128x128xf32>
      %max3A_80 = arith.maximumf %sub3A_77, %max3A_79 : vector<128x128xf32>
      %sub3A_81 = arith.subf %min3A_76, %max3A_71 : vector<128x128xf32>
      %max3A_82 = arith.constant 0.000000e+00 : f32
      %max3A_83 = vector.broadcast %max3A_82 : f32 to vector<128x128xf32>
      %max3A_84 = arith.maximumf %sub3A_81, %max3A_83 : vector<128x128xf32>
      %mul3A_85 = arith.mulf %max3A_80, %max3A_84 : vector<128x128xf32>
      %sub3A_86 = arith.subf %broadcast_in_dim3A_61, %broadcast_in_dim3A_51 : vector<128x1xf32>
      %sub3A_87 = arith.subf %broadcast_in_dim3A_66, %broadcast_in_dim3A_56 : vector<128x1xf32>
      %mul3A_88 = arith.mulf %sub3A_86, %sub3A_87 : vector<128x1xf32>
      %sub3A_89 = arith.subf %get3A_32, %get3A_22 : vector<1x128xf32>
      %sub3A_90 = arith.subf %get3A_37, %get3A_27 : vector<1x128xf32>
      %mul3A_91 = arith.mulf %sub3A_89, %sub3A_90 : vector<1x128xf32>
      %add3A = vector.broadcast %mul3A_88 : vector<128x1xf32> to vector<128x128xf32>
      %add3A_92 = vector.broadcast %mul3A_91 : vector<1x128xf32> to vector<128x128xf32>
      %add3A_93 = arith.addf %add3A, %add3A_92 : vector<128x128xf32>
      %sub3A_94 = arith.subf %add3A_93, %mul3A_85 : vector<128x128xf32>
      %max3A_95 = arith.constant 9.99999971E-10 : f32
      %max3A_96 = vector.broadcast %max3A_95 : f32 to vector<128x128xf32>
      %max3A_97 = arith.maximumf %sub3A_94, %max3A_96 : vector<128x128xf32>
      %div3A = arith.divf %mul3A_85, %max3A_97 : vector<128x128xf32>
      %gt3A = arith.constant 0.699999988 : f32
      %gt3A_98 = vector.broadcast %gt3A : f32 to vector<128x128xf32>
      %gt3A_99 = arith.cmpf ogt, %div3A, %gt3A_98 : vector<128x128xf32>
      %convert_element_type3A_100 = arith.extui %gt3A_99 : vector<128x128xi1> to vector<128x128xi32>
      %convert_element_type3A_101 = arith.sitofp %convert_element_type3A_100 : vector<128x128xi32> to vector<128x128xf32>
      %mul3A_102 = arith.mulf %convert_element_type3A_101, %convert_element_type3A_14 : vector<128x128xf32>
      %while3A_103 = arith.constant true
      %while3A_104:2 = scf.while (%while3A_139 = %mul3A, %while3A_140 = %while3A_103) : (vector<1x128xf32>, i1) -> (vector<1x128xf32>, i1) {
        scf.condition(%while3A_140) %while3A_139, %while3A_140 : vector<1x128xf32>, i1
      } do {
      ^bb0(%while3A_139: vector<1x128xf32>, %while3A_140: i1):
        %mul3A_141 = vector.broadcast %while3A_139 : vector<1x128xf32> to vector<128x128xf32>
        %mul3A_142 = arith.mulf %convert_element_type3A_12, %mul3A_141 : vector<128x128xf32>
        %reduce_sum3A_143 = arith.constant dense<0.000000e+00> : vector<128xf32>
        %reduce_sum3A_144 = vector.multi_reduction <add>, %mul3A_142, %reduce_sum3A_143 [1] : vector<128x128xf32> to vector<128xf32>
        %broadcast_in_dim3A_145 = vector.shape_cast %reduce_sum3A_144 : vector<128xf32> to vector<128x1xf32>
        %mul3A_146 = vector.broadcast %broadcast_in_dim3A_145 : vector<128x1xf32> to vector<128x128xf32>
        %mul3A_147 = arith.mulf %mul3A_102, %mul3A_146 : vector<128x128xf32>
        %reduce_max3A = arith.constant dense<0xFF800000> : vector<128xf32>
        %reduce_max3A_148 = vector.multi_reduction <maximumf>, %mul3A_147, %reduce_max3A [0] : vector<128x128xf32> to vector<128xf32>
        %broadcast_in_dim3A_149 = vector.shape_cast %reduce_max3A_148 : vector<128xf32> to vector<1x128xf32>
        %sub3A_150 = arith.constant 1.000000e+00 : f32
        %sub3A_151 = vector.broadcast %sub3A_150 : f32 to vector<1x128xf32>
        %sub3A_152 = arith.subf %sub3A_151, %broadcast_in_dim3A_149 : vector<1x128xf32>
        %mul3A_153 = arith.mulf %mul3A, %sub3A_152 : vector<1x128xf32>
        %ne3A = arith.cmpf one, %mul3A_153, %while3A_139 : vector<1x128xf32>
        %reduce_or3A = arith.constant 1.000000e+00 : f32
        %reduce_or3A_154 = arith.constant 0.000000e+00 : f32
        %reduce_or3A_155 = vector.broadcast %reduce_or3A : f32 to vector<1x128xf32>
        %reduce_or3A_156 = vector.broadcast %reduce_or3A_154 : f32 to vector<1x128xf32>
        %reduce_or3A_157 = arith.select %ne3A, %reduce_or3A_155, %reduce_or3A_156 : vector<1x128xi1>, vector<1x128xf32>
        %reduce_or3A_158 = vector.shape_cast %reduce_or3A_157 : vector<1x128xf32> to vector<1x1x128xf32>
        %reduce_or3A_159 = arith.constant dense<0xFF800000> : vector<1xf32>
        %reduce_or3A_160 = vector.multi_reduction <maximumf>, %reduce_or3A_158, %reduce_or3A_159 [1, 2] : vector<1x1x128xf32> to vector<1xf32>
        %reduce_or3A_161 = vector.shape_cast %reduce_or3A_160 : vector<1xf32> to vector<1x1x1xf32>
        %reduce_or3A_162 = vector.extract %reduce_or3A_161[0, 0, 0] : f32 from vector<1x1x1xf32>
        %reduce_or3A_163 = arith.constant 0.000000e+00 : f32
        %reduce_or3A_164 = arith.cmpf ogt, %reduce_or3A_162, %reduce_or3A_163 : f32
        scf.yield %mul3A_153, %reduce_or3A_164 : vector<1x128xf32>, i1
      }
      %swap3A_105 = arith.constant 0 : index
      %swap3A_106 = arith.index_cast %while3A_17 : i32 to index
      %swap3A_107 = arith.constant 0 : index
      %swap3A_108 = vector.load %arg6[%swap3A_105, %swap3A_106, %swap3A_107] : memref<1x96x128xf32, #tpu.memory_space<vmem>>, vector<1x1x128xf32>
      %swap3A_109 = vector.shape_cast %swap3A_108 : vector<1x1x128xf32> to vector<1x128xf32>
      %swap3A_110 = vector.shape_cast %while3A_104#0 : vector<1x128xf32> to vector<1x1x128xf32>
      tpu.vector_store %arg6[%swap3A_105, %swap3A_106, %swap3A_107], %swap3A_110 {strides = array<i32>} : memref<1x96x128xf32, #tpu.memory_space<vmem>>, vector<1x1x128xf32>,
      %mul3A_111 = vector.broadcast %while3A_104#0 : vector<1x128xf32> to vector<128x128xf32>
      %mul3A_112 = arith.mulf %convert_element_type3A_12, %mul3A_111 : vector<128x128xf32>
      %reduce_sum3A_113 = arith.constant dense<0.000000e+00> : vector<128xf32>
      %reduce_sum3A_114 = vector.multi_reduction <add>, %mul3A_112, %reduce_sum3A_113 [1] : vector<128x128xf32> to vector<128xf32>
      %broadcast_in_dim3A_115 = vector.shape_cast %reduce_sum3A_114 : vector<128xf32> to vector<128x1xf32>
      %add3A_116 = arith.constant 1 : i32
      %add3A_117 = arith.addi %while3A_17, %add3A_116 : i32
      %while3A_118 = arith.constant 94 : i32
      %while3A_119 = arith.constant 0 : i32
      %while3A_120 = arith.subi %while3A_118, %add3A_117 : i32
      %while3A_121 = arith.addi %add3A_117, %while3A_120 : i32
      %while3A_122 = arith.constant 1 : i32
      %while3A_123 = arith.divsi %while3A_120, %while3A_122 : i32
      %while3A_124 = arith.muli %while3A_123, %while3A_122 : i32
      %while3A_125 = arith.addi %add3A_117, %while3A_124 : i32
      %while3A_126 = arith.constant 1 : i32
      %while3A_127 = scf.for %while3A_139 = %add3A_117 to %while3A_125 step %while3A_126 iter_args(%while3A_140 = %while3A_119) -> (i32)  : i32 {
        %get3A_141 = arith.constant 0 : index
        %get3A_142 = arith.index_cast %while3A_139 : i32 to index
        %get3A_143 = arith.constant 0 : index
        %get3A_144 = vector.load %arg1[%get3A_141, %get3A_142, %get3A_143] : memref<1x96x128xf32, #tpu.memory_space<vmem>>, vector<1x1x128xf32>
        %get3A_145 = vector.shape_cast %get3A_144 : vector<1x1x128xf32> to vector<1x128xf32>
        %get3A_146 = arith.constant 0 : index
        %get3A_147 = arith.index_cast %while3A_139 : i32 to index
        %get3A_148 = arith.constant 0 : index
        %get3A_149 = vector.load %arg2[%get3A_146, %get3A_147, %get3A_148] : memref<1x96x128xf32, #tpu.memory_space<vmem>>, vector<1x1x128xf32>
        %get3A_150 = vector.shape_cast %get3A_149 : vector<1x1x128xf32> to vector<1x128xf32>
        %get3A_151 = arith.constant 0 : index
        %get3A_152 = arith.index_cast %while3A_139 : i32 to index
        %get3A_153 = arith.constant 0 : index
        %get3A_154 = vector.load %arg3[%get3A_151, %get3A_152, %get3A_153] : memref<1x96x128xf32, #tpu.memory_space<vmem>>, vector<1x1x128xf32>
        %get3A_155 = vector.shape_cast %get3A_154 : vector<1x1x128xf32> to vector<1x128xf32>
        %get3A_156 = arith.constant 0 : index
        %get3A_157 = arith.index_cast %while3A_139 : i32 to index
        %get3A_158 = arith.constant 0 : index
        %get3A_159 = vector.load %arg4[%get3A_156, %get3A_157, %get3A_158] : memref<1x96x128xf32, #tpu.memory_space<vmem>>, vector<1x1x128xf32>
        %get3A_160 = vector.shape_cast %get3A_159 : vector<1x1x128xf32> to vector<1x128xf32>
        %max3A_161 = vector.broadcast %broadcast_in_dim3A_51 : vector<128x1xf32> to vector<128x128xf32>
        %max3A_162 = vector.broadcast %get3A_145 : vector<1x128xf32> to vector<128x128xf32>
        %max3A_163 = arith.maximumf %max3A_161, %max3A_162 : vector<128x128xf32>
        %max3A_164 = vector.broadcast %broadcast_in_dim3A_56 : vector<128x1xf32> to vector<128x128xf32>
        %max3A_165 = vector.broadcast %get3A_150 : vector<1x128xf32> to vector<128x128xf32>
        %max3A_166 = arith.maximumf %max3A_164, %max3A_165 : vector<128x128xf32>
        %min3A_167 = vector.broadcast %broadcast_in_dim3A_61 : vector<128x1xf32> to vector<128x128xf32>
        %min3A_168 = vector.broadcast %get3A_155 : vector<1x128xf32> to vector<128x128xf32>
        %min3A_169 = arith.minimumf %min3A_167, %min3A_168 : vector<128x128xf32>
        %min3A_170 = vector.broadcast %broadcast_in_dim3A_66 : vector<128x1xf32> to vector<128x128xf32>
        %min3A_171 = vector.broadcast %get3A_160 : vector<1x128xf32> to vector<128x128xf32>
        %min3A_172 = arith.minimumf %min3A_170, %min3A_171 : vector<128x128xf32>
        %sub3A_173 = arith.subf %min3A_169, %max3A_163 : vector<128x128xf32>
        %max3A_174 = arith.constant 0.000000e+00 : f32
        %max3A_175 = vector.broadcast %max3A_174 : f32 to vector<128x128xf32>
        %max3A_176 = arith.maximumf %sub3A_173, %max3A_175 : vector<128x128xf32>
        %sub3A_177 = arith.subf %min3A_172, %max3A_166 : vector<128x128xf32>
        %max3A_178 = arith.constant 0.000000e+00 : f32
        %max3A_179 = vector.broadcast %max3A_178 : f32 to vector<128x128xf32>
        %max3A_180 = arith.maximumf %sub3A_177, %max3A_179 : vector<128x128xf32>
        %mul3A_181 = arith.mulf %max3A_176, %max3A_180 : vector<128x128xf32>
        %sub3A_182 = arith.subf %broadcast_in_dim3A_61, %broadcast_in_dim3A_51 : vector<128x1xf32>
        %sub3A_183 = arith.subf %broadcast_in_dim3A_66, %broadcast_in_dim3A_56 : vector<128x1xf32>
        %mul3A_184 = arith.mulf %sub3A_182, %sub3A_183 : vector<128x1xf32>
        %sub3A_185 = arith.subf %get3A_155, %get3A_145 : vector<1x128xf32>
        %sub3A_186 = arith.subf %get3A_160, %get3A_150 : vector<1x128xf32>
        %mul3A_187 = arith.mulf %sub3A_185, %sub3A_186 : vector<1x128xf32>
        %add3A_188 = vector.broadcast %mul3A_184 : vector<128x1xf32> to vector<128x128xf32>
        %add3A_189 = vector.broadcast %mul3A_187 : vector<1x128xf32> to vector<128x128xf32>
        %add3A_190 = arith.addf %add3A_188, %add3A_189 : vector<128x128xf32>
        %sub3A_191 = arith.subf %add3A_190, %mul3A_181 : vector<128x128xf32>
        %max3A_192 = arith.constant 9.99999971E-10 : f32
        %max3A_193 = vector.broadcast %max3A_192 : f32 to vector<128x128xf32>
        %max3A_194 = arith.maximumf %sub3A_191, %max3A_193 : vector<128x128xf32>
        %div3A_195 = arith.divf %mul3A_181, %max3A_194 : vector<128x128xf32>
        %gt3A_196 = arith.constant 0.699999988 : f32
        %gt3A_197 = vector.broadcast %gt3A_196 : f32 to vector<128x128xf32>
        %gt3A_198 = arith.cmpf ogt, %div3A_195, %gt3A_197 : vector<128x128xf32>
        %convert_element_type3A_199 = arith.extui %gt3A_198 : vector<128x128xi1> to vector<128x128xi32>
        %convert_element_type3A_200 = arith.sitofp %convert_element_type3A_199 : vector<128x128xi32> to vector<128x128xf32>
        %mul3A_201 = vector.broadcast %broadcast_in_dim3A_115 : vector<128x1xf32> to vector<128x128xf32>
        %mul3A_202 = arith.mulf %convert_element_type3A_200, %mul3A_201 : vector<128x128xf32>
        %reduce_max3A = arith.constant dense<0xFF800000> : vector<128xf32>
        %reduce_max3A_203 = vector.multi_reduction <maximumf>, %mul3A_202, %reduce_max3A [0] : vector<128x128xf32> to vector<128xf32>
        %broadcast_in_dim3A_204 = vector.shape_cast %reduce_max3A_203 : vector<128xf32> to vector<1x128xf32>
        %get3A_205 = arith.index_cast %while3A_139 : i32 to index
        %get3A_206 = arith.constant 0 : index
        %get3A_207 = vector.load %arg7[%get3A_205, %get3A_206] : memref<96x128xf32, #tpu.memory_space<vmem>>, vector<1x128xf32>
        %max3A_208 = arith.maximumf %get3A_207, %broadcast_in_dim3A_204 : vector<1x128xf32>
        %swap3A_209 = arith.index_cast %while3A_139 : i32 to index
        %swap3A_210 = arith.constant 0 : index
        %swap3A_211 = vector.load %arg7[%swap3A_209, %swap3A_210] : memref<96x128xf32, #tpu.memory_space<vmem>>, vector<1x128xf32>
        tpu.vector_store %arg7[%swap3A_209, %swap3A_210], %max3A_208 {strides = array<i32>} : memref<96x128xf32, #tpu.memory_space<vmem>>, vector<1x128xf32>,
        %while3A_212 = arith.constant 0 : i32
        scf.yield %while3A_212 : i32
      }
      %while3A_128 = arith.constant 1 : i32
      %while3A_129 = scf.for %while3A_139 = %while3A_125 to %while3A_121 step %while3A_128 iter_args(%while3A_140 = %while3A_127) -> (i32)  : i32 {
        %get3A_141 = arith.constant 0 : index
        %get3A_142 = arith.index_cast %while3A_139 : i32 to index
        %get3A_143 = arith.constant 0 : index
        %get3A_144 = vector.load %arg1[%get3A_141, %get3A_142, %get3A_143] : memref<1x96x128xf32, #tpu.memory_space<vmem>>, vector<1x1x128xf32>
        %get3A_145 = vector.shape_cast %get3A_144 : vector<1x1x128xf32> to vector<1x128xf32>
        %get3A_146 = arith.constant 0 : index
        %get3A_147 = arith.index_cast %while3A_139 : i32 to index
        %get3A_148 = arith.constant 0 : index
        %get3A_149 = vector.load %arg2[%get3A_146, %get3A_147, %get3A_148] : memref<1x96x128xf32, #tpu.memory_space<vmem>>, vector<1x1x128xf32>
        %get3A_150 = vector.shape_cast %get3A_149 : vector<1x1x128xf32> to vector<1x128xf32>
        %get3A_151 = arith.constant 0 : index
        %get3A_152 = arith.index_cast %while3A_139 : i32 to index
        %get3A_153 = arith.constant 0 : index
        %get3A_154 = vector.load %arg3[%get3A_151, %get3A_152, %get3A_153] : memref<1x96x128xf32, #tpu.memory_space<vmem>>, vector<1x1x128xf32>
        %get3A_155 = vector.shape_cast %get3A_154 : vector<1x1x128xf32> to vector<1x128xf32>
        %get3A_156 = arith.constant 0 : index
        %get3A_157 = arith.index_cast %while3A_139 : i32 to index
        %get3A_158 = arith.constant 0 : index
        %get3A_159 = vector.load %arg4[%get3A_156, %get3A_157, %get3A_158] : memref<1x96x128xf32, #tpu.memory_space<vmem>>, vector<1x1x128xf32>
        %get3A_160 = vector.shape_cast %get3A_159 : vector<1x1x128xf32> to vector<1x128xf32>
        %max3A_161 = vector.broadcast %broadcast_in_dim3A_51 : vector<128x1xf32> to vector<128x128xf32>
        %max3A_162 = vector.broadcast %get3A_145 : vector<1x128xf32> to vector<128x128xf32>
        %max3A_163 = arith.maximumf %max3A_161, %max3A_162 : vector<128x128xf32>
        %max3A_164 = vector.broadcast %broadcast_in_dim3A_56 : vector<128x1xf32> to vector<128x128xf32>
        %max3A_165 = vector.broadcast %get3A_150 : vector<1x128xf32> to vector<128x128xf32>
        %max3A_166 = arith.maximumf %max3A_164, %max3A_165 : vector<128x128xf32>
        %min3A_167 = vector.broadcast %broadcast_in_dim3A_61 : vector<128x1xf32> to vector<128x128xf32>
        %min3A_168 = vector.broadcast %get3A_155 : vector<1x128xf32> to vector<128x128xf32>
        %min3A_169 = arith.minimumf %min3A_167, %min3A_168 : vector<128x128xf32>
        %min3A_170 = vector.broadcast %broadcast_in_dim3A_66 : vector<128x1xf32> to vector<128x128xf32>
        %min3A_171 = vector.broadcast %get3A_160 : vector<1x128xf32> to vector<128x128xf32>
        %min3A_172 = arith.minimumf %min3A_170, %min3A_171 : vector<128x128xf32>
        %sub3A_173 = arith.subf %min3A_169, %max3A_163 : vector<128x128xf32>
        %max3A_174 = arith.constant 0.000000e+00 : f32
        %max3A_175 = vector.broadcast %max3A_174 : f32 to vector<128x128xf32>
        %max3A_176 = arith.maximumf %sub3A_173, %max3A_175 : vector<128x128xf32>
        %sub3A_177 = arith.subf %min3A_172, %max3A_166 : vector<128x128xf32>
        %max3A_178 = arith.constant 0.000000e+00 : f32
        %max3A_179 = vector.broadcast %max3A_178 : f32 to vector<128x128xf32>
        %max3A_180 = arith.maximumf %sub3A_177, %max3A_179 : vector<128x128xf32>
        %mul3A_181 = arith.mulf %max3A_176, %max3A_180 : vector<128x128xf32>
        %sub3A_182 = arith.subf %broadcast_in_dim3A_61, %broadcast_in_dim3A_51 : vector<128x1xf32>
        %sub3A_183 = arith.subf %broadcast_in_dim3A_66, %broadcast_in_dim3A_56 : vector<128x1xf32>
        %mul3A_184 = arith.mulf %sub3A_182, %sub3A_183 : vector<128x1xf32>
        %sub3A_185 = arith.subf %get3A_155, %get3A_145 : vector<1x128xf32>
        %sub3A_186 = arith.subf %get3A_160, %get3A_150 : vector<1x128xf32>
        %mul3A_187 = arith.mulf %sub3A_185, %sub3A_186 : vector<1x128xf32>
        %add3A_188 = vector.broadcast %mul3A_184 : vector<128x1xf32> to vector<128x128xf32>
        %add3A_189 = vector.broadcast %mul3A_187 : vector<1x128xf32> to vector<128x128xf32>
        %add3A_190 = arith.addf %add3A_188, %add3A_189 : vector<128x128xf32>
        %sub3A_191 = arith.subf %add3A_190, %mul3A_181 : vector<128x128xf32>
        %max3A_192 = arith.constant 9.99999971E-10 : f32
        %max3A_193 = vector.broadcast %max3A_192 : f32 to vector<128x128xf32>
        %max3A_194 = arith.maximumf %sub3A_191, %max3A_193 : vector<128x128xf32>
        %div3A_195 = arith.divf %mul3A_181, %max3A_194 : vector<128x128xf32>
        %gt3A_196 = arith.constant 0.699999988 : f32
        %gt3A_197 = vector.broadcast %gt3A_196 : f32 to vector<128x128xf32>
        %gt3A_198 = arith.cmpf ogt, %div3A_195, %gt3A_197 : vector<128x128xf32>
        %convert_element_type3A_199 = arith.extui %gt3A_198 : vector<128x128xi1> to vector<128x128xi32>
        %convert_element_type3A_200 = arith.sitofp %convert_element_type3A_199 : vector<128x128xi32> to vector<128x128xf32>
        %mul3A_201 = vector.broadcast %broadcast_in_dim3A_115 : vector<128x1xf32> to vector<128x128xf32>
        %mul3A_202 = arith.mulf %convert_element_type3A_200, %mul3A_201 : vector<128x128xf32>
        %reduce_max3A = arith.constant dense<0xFF800000> : vector<128xf32>
        %reduce_max3A_203 = vector.multi_reduction <maximumf>, %mul3A_202, %reduce_max3A [0] : vector<128x128xf32> to vector<128xf32>
        %broadcast_in_dim3A_204 = vector.shape_cast %reduce_max3A_203 : vector<128xf32> to vector<1x128xf32>
        %get3A_205 = arith.index_cast %while3A_139 : i32 to index
        %get3A_206 = arith.constant 0 : index
        %get3A_207 = vector.load %arg7[%get3A_205, %get3A_206] : memref<96x128xf32, #tpu.memory_space<vmem>>, vector<1x128xf32>
        %max3A_208 = arith.maximumf %get3A_207, %broadcast_in_dim3A_204 : vector<1x128xf32>
        %swap3A_209 = arith.index_cast %while3A_139 : i32 to index
        %swap3A_210 = arith.constant 0 : index
        %swap3A_211 = vector.load %arg7[%swap3A_209, %swap3A_210] : memref<96x128xf32, #tpu.memory_space<vmem>>, vector<1x128xf32>
        tpu.vector_store %arg7[%swap3A_209, %swap3A_210], %max3A_208 {strides = array<i32>} : memref<96x128xf32, #tpu.memory_space<vmem>>, vector<1x128xf32>,
        %while3A_212 = arith.constant 0 : i32
        scf.yield %while3A_212 : i32
      }
      %add3A_130 = arith.constant 1 : i32
      %add3A_131 = arith.addi %while3A_17, %add3A_130 : i32
      %reduce_sum3A_132 = vector.shape_cast %while3A_104#0 : vector<1x128xf32> to vector<1x1x128xf32>
      %reduce_sum3A_133 = arith.constant dense<0.000000e+00> : vector<1xf32>
      %reduce_sum3A_134 = vector.multi_reduction <add>, %reduce_sum3A_132, %reduce_sum3A_133 [1, 2] : vector<1x1x128xf32> to vector<1xf32>
      %reduce_sum3A_135 = vector.shape_cast %reduce_sum3A_134 : vector<1xf32> to vector<1x1x1xf32>
      %reduce_sum3A_136 = vector.extract %reduce_sum3A_135[0, 0, 0] : f32 from vector<1x1x1xf32>
      %convert_element_type3A_137 = arith.fptosi %reduce_sum3A_136 : f32 to i32
      %add3A_138 = arith.addi %while3A_18, %convert_element_type3A_137 : i32
      scf.yield %add3A_131, %add3A_138 : i32, i32
    }
    return
  }
  func.func @transform_0(%arg0: i32) -> (i32, i32, i32) {
    %c0_i32 = arith.constant 0 : i32
    %c0_i32_0 = arith.constant 0 : i32
    %c0_i32_1 = arith.constant 0 : i32
    return %arg0, %c0_i32, %c0_i32_0 : i32, i32, i32
  }
  func.func @transform_1(%arg0: i32) -> (i32, i32, i32) {
    %c0_i32 = arith.constant 0 : i32
    %c0_i32_0 = arith.constant 0 : i32
    %c0_i32_1 = arith.constant 0 : i32
    return %arg0, %c0_i32, %c0_i32_0 : i32, i32, i32
  }
  func.func @transform_2(%arg0: i32) -> (i32, i32, i32) {
    %c0_i32 = arith.constant 0 : i32
    %c0_i32_0 = arith.constant 0 : i32
    %c0_i32_1 = arith.constant 0 : i32
    return %arg0, %c0_i32, %c0_i32_0 : i32, i32, i32
  }
  func.func @transform_3(%arg0: i32) -> (i32, i32, i32) {
    %c0_i32 = arith.constant 0 : i32
    %c0_i32_0 = arith.constant 0 : i32
    %c0_i32_1 = arith.constant 0 : i32
    return %arg0, %c0_i32, %c0_i32_0 : i32, i32, i32
  }
  func.func @transform_4(%arg0: i32) -> (i32, i32, i32) {
    %c0_i32 = arith.constant 0 : i32
    %c0_i32_0 = arith.constant 0 : i32
    %c0_i32_1 = arith.constant 0 : i32
    return %arg0, %c0_i32, %c0_i32_0 : i32, i32, i32
  }
  func.func @transform_5(%arg0: i32) -> (i32, i32, i32) {
    %c0_i32 = arith.constant 0 : i32
    %c0_i32_0 = arith.constant 0 : i32
    %c0_i32_1 = arith.constant 0 : i32
    return %arg0, %c0_i32, %c0_i32_0 : i32, i32, i32
  }
}

</mosaic_0001>

<sc_bundles>
// kernel: gather_offload_async_start.1
scs
__scs_entry_jumppad:
0x0: {  	(pc) =	sbr.rel $0x88, $3  }
0x1: {  	(tag) =	ssettag $0x0;
	lr =	simm.s32 $0x1  }
0x2: {  	[smem:$0x3F99] =	sst lr;
	_ =	strace $0xD0000000  }
0x3: {  	_ = 	snop  }
0x4: {  	_ = 	snop  }
0x5: {  	_ = 	snop  }
0x6: {  	_ = 	snop  }
0x7: {  	_ = 	snop  }
__scs_overlays_trampoline_lowered:
0x8: {  	[smem:$0x3FA8] =	sst s0  }
0x9: {  	[smem:$0x3FA9] =	sst s1  }
0xa: {  	[smem:$0x3FAA] =	sst s2  }
0xb: {  	[smem:$0x3FAB] =	sst s3  }
0xc: {  	[smem:$0x3FAC] =	sst s4  }
0xd: {  	[smem:$0x3FAD] =	sst s5  }
0xe: {  	[smem:$0x3FAE] =	sst s6  }
0xf: {  	[smem:$0x3FAF] =	sst s7  }
0x10: {  	[smem:$0x3FB0] =	sst s8  }
0x11: {  	[smem:$0x3FB1] =	sst s9;
	s0 =	simm.s32 @!p0 $0x0  }
0x12: {  	s1 =	sld [smem:$0x3F97];
	s0 =	simm.s32 @p0 $0x1  }
0x13: {  	[smem:$0x3FB2] =	sst s0;
	s0 =	simm.s32 @!p1 $0x0  }
0x14: {  	s2 =	sld [smem:$0x3F96];
	s0 =	simm.s32 @p1 $0x1  }
0x15: {  	[smem:$0x3FB3] =	sst s0;
	s0 =	simm.s32 @!p2 $0x0  }
0x16: {  	s3 =	sld [smem:$0x3FDB];
	s0 =	simm.s32 @p2 $0x1  }
0x17: {  	s4 =	simm.s32 $0x1BF5;
	[smem:$0x3FB5] =	sst s0  }
0x18: {  	s0 =	sld [smem:$0x3F98];
	_ =	swait.ge [sflag:s4], $0x0  }
0x19: {  	s7 =	sld [smem:$0x3F99]  }
0x1a: {  	s8 =	sadd.s32 $0xFFFFE003, lr  }
0x1b: {  	s9 =	sadd.s32 $0xFFFFFEF7, lr;
	s5 =	simm.s32 $0xFFFFFFFF;
	p2 =	slt.u32 s8, $0xFFFFF086  }
0x1c: {  	p1 =	slt.u32 s9, $0xF7A;
	s5 =	simm.s32 @!p2 $0x0  }
0x1d: {  	s5 =	simm.s32 @p1 $0x1;
	p0 =	seq.s32 s7, s2  }
0x1e: {  	s7 =	smul.u32 @!p0 $0xF7A, s2;
	p2 =	seq.s32 @!p0 s5, $0x0  }
0x1f: {  	s9 =	smul.u32 $0xF7A, s1;
	s8 =	simm.s32 @!p0 $0x1BF5;
	p2 =	por !p2, p0  }
0x20: {  	[sflag:s8] =	ssyncset.s32 @!p0 $0xFFFFF086;
	s6 =	sadd.s32 @!p0 s3, s7;
	s7 =	simm.s32 @!p0 $0x108  }
0x21: {  	s3 =	sadd.s32 s3, s9;
	s6 =	sadd.s32 @!p0 $0x88, s6;
	s7 =	simm.s32 @p2 $0x1082  }
0x22: {  	[simem:s7], [sflag:s8] =	dma.local @!p0 [hbm:s6], $0xF7A  }
0x23: {  	s9 =	sor.u32 $0xD0000000, s2;
	s6 =	simm.s32 $0x108;
	_ =	swait.ge @!p0 [sflag:s8], $0x0  }
0x24: {  	s3 =	sadd.s32 $0x88, s3;
	s6 =	simm.s32 @!p1 $0x1082;
	[sflag:s4] =	ssyncset.s32 $0xFFFFF086  }
0x25: {  	[simem:s6], [sflag:s4] =	dma.local [hbm:s3], $0xF7A  }
0x26: {  	[smem:$0x3F99] =	sst s1;
	(tag) =	ssettag s2;
	_ =	strace s9  }
0x27: {  	s1 =	sld [smem:$0x3FA9]  }
0x28: {  	s2 =	sld [smem:$0x3FAA]  }
0x29: {  	s4 =	sld [smem:$0x3FAC]  }
0x2a: {  	p0 =	seq.s32 s5, $0x0;
	s5 =	sld [smem:$0x3FAD]  }
0x2b: {  	s6 =	sld [smem:$0x3FAE]  }
0x2c: {  	s7 =	sld [smem:$0x3FAF]  }
0x2d: {  	s3 =	simm.s32 $0x108;
	s8 =	sld [smem:$0x3FB0]  }
0x2e: {  	s3 =	simm.s32 @!p0 $0x1082;
	s9 =	sld [smem:$0x3FB1]  }
0x2f: {  	lr =	sadd.s32 s0, s3;
	s0 =	sld [smem:$0x3FA8]  }
0x30: {  	s3 =	sld [smem:$0x3FAB]  }
0x31: {  	[smem:$0x3FB4] =	sst s10  }
0x32: {  	s10 =	sld [smem:$0x3FB2];
	_ =	sdelay $0x3  }
0x33: {  	p0 =	seq.s32 s10, $0x1;
	s10 =	sld [smem:$0x3FB4];
	_ =	sdelay $0x3  }
0x34: {  	[smem:$0x3FB4] =	sst s10  }
0x35: {  	s10 =	sld [smem:$0x3FB3];
	_ =	sdelay $0x3  }
0x36: {  	p1 =	seq.s32 s10, $0x1;
	s10 =	sld [smem:$0x3FB4];
	_ =	sdelay $0x3  }
0x37: {  	[smem:$0x3FB4] =	sst s10  }
0x38: {  	s10 =	sld [smem:$0x3FB5]  }
0x39: {  	_ = 	snop;
	(pc) =	sbr.ind lr, $3  }
0x3a: {  	_ = 	snop  }
0x3b: {  	_ = 	snop  }
0x3c: {  	p2 =	seq.s32 s10, $0x1;
	s10 =	sld [smem:$0x3FB4]  }
0x3d: {  	_ =	shalt  }
0x3e: {  	_ =	shalt  }
0x3f: {  	_ =	shalt  }
0x40: {  	_ =	shalt  }
0x41: {  	_ =	shalt  }
0x42: {  	_ =	shalt  }
0x43: {  	_ =	shalt  }
0x44: {  	_ =	shalt  }
0x45: {  	_ =	shalt  }
0x46: {  	_ =	shalt  }
0x47: {  	_ =	shalt  }
0x48: {  	_ =	shalt  }
0x49: {  	_ =	shalt  }
0x4a: {  	_ =	shalt  }
0x4b: {  	_ =	shalt  }
0x4c: {  	_ =	shalt  }
0x4d: {  	_ =	shalt  }
0x4e: {  	_ =	shalt  }
0x4f: {  	_ =	shalt  }
0x50: {  	_ =	shalt  }
0x51: {  	_ =	shalt  }
0x52: {  	_ =	shalt  }
0x53: {  	_ =	shalt  }
0x54: {  	_ =	shalt  }
0x55: {  	_ =	shalt  }
0x56: {  	_ =	shalt  }
0x57: {  	_ =	shalt  }
0x58: {  	_ =	shalt  }
0x59: {  	_ =	shalt  }
0x5a: {  	_ =	shalt  }
0x5b: {  	_ =	shalt  }
0x5c: {  	_ =	shalt  }
0x5d: {  	_ =	shalt  }
0x5e: {  	_ =	shalt  }
0x5f: {  	_ =	shalt  }
0x60: {  	_ =	shalt  }
0x61: {  	_ =	shalt  }
0x62: {  	_ =	shalt  }
0x63: {  	_ =	shalt  }
0x64: {  	_ =	shalt  }
0x65: {  	_ =	shalt  }
0x66: {  	_ =	shalt  }
0x67: {  	_ =	shalt  }
0x68: {  	_ =	shalt  }
0x69: {  	_ =	shalt  }
0x6a: {  	_ =	shalt  }
0x6b: {  	_ =	shalt  }
0x6c: {  	_ =	shalt  }
0x6d: {  	_ =	shalt  }
0x6e: {  	_ =	shalt  }
0x6f: {  	_ =	shalt  }
0x70: {  	_ =	shalt  }
0x71: {  	_ =	shalt  }
0x72: {  	_ =	shalt  }
0x73: {  	_ =	shalt  }
0x74: {  	_ =	shalt  }
0x75: {  	_ =	shalt  }
0x76: {  	_ =	shalt  }
0x77: {  	_ =	shalt  }
0x78: {  	_ =	shalt  }
0x79: {  	_ =	shalt  }
0x7a: {  	_ =	shalt  }
0x7b: {  	_ =	shalt  }
0x7c: {  	_ =	shalt  }
0x7d: {  	_ =	shalt  }
0x7e: {  	_ =	shalt  }
0x7f: {  	_ =	shalt  }
0x80: {  	_ =	shalt  }
0x81: {  	_ =	shalt  }
0x82: {  	_ =	shalt  }
0x83: {  	_ =	shalt  }
0x84: {  	_ =	shalt  }
0x85: {  	_ =	shalt  }
0x86: {  	_ =	shalt  }
0x87: {  	_ =	shalt  }
.Lfunc_end0:
.L_simem_size_0:
called_computation.3_lowered:
.L_overlay_start_0:
0x88: {  	s0 =	sld [smem:$0x3FD9]  }
0x89: {  	s1 =	sld [smem:$0x3FFE];
	_ =	sdelay $0x3  }
0x8a: {  	s0 =	sadd.s32 s1, s0  }
0x8b: {  	[smem:$0x3FC0] =	sst s0  }
0x8c: {  	_ = 	snop  }
0x8d: {  	s0 =	sld [smem:$0x3FD0];
	_ =	sdelay $0x2  }
0x8e: {  	s13 =	simm.s32 $0xB;
	s2 =	simm.s32 $0x10  }
0x8f: {  	[smem:s2], [sflag:s13] =	dma.local [hbm:s0], $0x1  }
0x90: {  	_ =	swait.eq [sflag:s13], $0x1  }
0x91: {  	[sflag:s13] =	ssyncset.done $0x0  }
0x92: {  	[sflag:s13] =	ssyncadd.s32 $0xFFFFFFFF  }
0x93: {  	s14 =	sld [smem:$0x12];
	(tm) =	ssettm $0x1  }
0x94: {  	s15 =	sld [smem:$0x3FFB];
	_ =	sdelay $0x3  }
0x95: {  	_ =	strace s15  }
0x96: {  	s1 =	sld [smem:$0x3FFC];
	_ =	sdelay $0x3  }
0x97: {  	_ =	strace s1  }
0x98: {  	s1 =	sld [smem:$0x3FFD];
	_ =	sdelay $0x3  }
0x99: {  	_ =	strace s1  }
0x9a: {  	_ =	strace $0x8FFFFFFF  }
0x9b: {  	s16 =	sld [smem:$0x3FDB];
	_ =	sdelay $0x1  }
0x9c: {  	s17 =	simm.s32 $_scs_section_size  }
0x9d: {  	s3 =	simm.s32 $_size__tile_overlayer_lowered;
	s4 =	simm.s32 $_tile_overlayer_lowered  }
0x9e: {  	s20 =	simm.s32 $0x1BFF;
	s19 =	sshll.u32 s4, $0x1;
	s1 =	sadd.s32 s17, s16  }
0x9f: {  	s5 =	simm.s32 $0x0;
	s18 =	sshll.u32 s3, $0x1;
	s3 =	sadd.s32 s19, s1  }
0xa0: {  	[timem:s5], [sflag:s20] =	dma.local [hbm:s3], s18  }
0xa1: {  	_ =	swait.ge [sflag:s20], s18  }
0xa2: {  	s2 =	ssub.s32 $0x0, s18;
	[sflag:s20] =	ssyncset.done $0x0  }
0xa3: {  	[sflag:s20] =	ssyncadd.s32 s2;
	_ =	sdelay $0x1  }
0xa4: {  	s21 =	simm.s32 $0x1B8B  }
0xa5: {  	_ =	swait.ge [sflag:s21], $0x1  }
0xa6: {  	[sflag:s21] =	ssyncset.done $0x0  }
0xa7: {  	s23 =	simm.s32 $0x1B8E;
	s22 =	sld [smem:$0x3FFE];
	[sflag:s21] =	ssyncadd.s32 $0xFFFFFFFF  }
0xa8: {  	s24 =	simm.s32 $execute0_lowered;
	[smem:$0x3FD2] =	sst s23  }
0xa9: {  	s3 =	sshll.u32 s24, $0x1;
	_ =	strace $0x80000052;
	[dreg:$0x1] =	wrdreg $0xFFFFFFFF  }
0xaa: {  	s25 =	simm.s32 $_size_execute0_lowered;
	s1 =	sadd.s32 s1, s3;
	[dreg:$0x0] =	wrdreg $0x0  }
0xab: {  	s3 =	sshll.u32 s25, $0x1;
	[dreg:$0x2] =	wrdreg s1  }
0xac: {  	[dreg:$0x3] =	wrdreg s3  }
0xad: {  	[dreg:$0x4] =	wrdreg $0xC0  }
0xae: {  	_ =	task [dreg:s5], $0x5FFFF  }
0xaf: {  	[dreg:$0x1] =	wrdreg $0xFFFFFFFF  }
0xb0: {  	[dreg:$0x0] =	wrdreg $0x60  }
0xb1: {  	[dreg:$0x2] =	wrdreg s22  }
0xb2: {  	[dreg:$0x3] =	wrdreg s14  }
0xb3: {  	[dreg:$0x4] =	wrdreg $0xA  }
0xb4: {  	_ =	task.clear_ibuf [dreg:s5], $0x5FFFF;
	_ =	strace $0x90000052  }
0xb5: {  	s26 =	simm.s32 $0xA;
	_ =	strace $0x80000054  }
0xb6: {  	_ =	swait.ge [sflag:s26], $0x1  }
0xb7: {  	[sflag:s26] =	ssyncadd.s32 $0xFFFFFFFF  }
0xb8: {  	_ =	strace $0x90000054  }
0xb9: {  	_ =	sfence  }
0xba: {  	s28 =	sld [smem:$0x0];
	_ =	sdelay $0x1  }
0xbb: {  	s29 =	srdreg.scid  }
0xbc: {  	s30 =	sshll.u32 s29, $0xD;
	s31 =	sshrl.u32 s29, $0x2  }
0xbd: {  	s2 =	sand.u32 $0x4000, s30;
	s1 =	sand.u32 $0x1, s29;
	s0 =	sadd.s32 s31, s28  }
0xbe: {  	s1 =	sor.u32 s2, s1;
	s0 =	sshll.u32 s0, $0x11  }
0xbf: {  	s0 =	sor.u32 s0, s1  }
0xc0: {  	s0 =	sadd.s32 $0x8F2B, s0  }
0xc1: {  	[sflag:s0] =	ssyncadd.remote.s32 $0x1  }
0xc2: {  	_ =	sfence.sel $0xFFFF  }
0xc3: {  	[dreg:$0x0] =	wrdreg $0xFFFFFFFF;
	(pc) =	sbr.abs _section_cstart, $3  }
0xc4: {  	[dreg:$0x1] =	wrdreg $0xFFFFFFFF  }
0xc5: {  	_ =	task.clear_ibuf [dreg:s5], $0x2FFFF;
	_ =	strace $0x9FFFFFFF  }
0xc6: {  	(tm) =	ssettm $0x7FFFFFFF  }
0xc7: {  	_ =	shalt  }
tec
execute0_lowered:
.L_overlay_start_1:
0x0: {  	(tag) =	ssettag $0x1  }
0x1: {  	s0 =	stileid.u32  }
0x2: {  	s1 =	smin.u32 s0, $0x9  }
0x3: {  	s1 =	sadd.s32 s0, s1  }
0x4: {  	s2 =	simm.s32 $0xA0;
	p0 =	slt.u32 s0, $0x9;
	s1 =	smul.u32 $0x50, s1  }
0x5: {  	s2 =	simm.s32 @!p0 $0x50  }
0x6: {  	s2 =	sadd.s32 s2, s1  }
0x7: {  	s3 =	smin.u32 s2, $0x7D0  }
0x8: {  	s7 =	ssub.s32 s3, s1  }
0x9: {  	p0 =	sgt.s32 s7, $0x0  }
0xa: {  	s7 =	simm.s32 @!p0 $0x0  }
0xb: {  	s9 =	rddreg [dreg:$0x0];
	s31 =	smul.u32 $0xCCCD, s7  }
0xc: {  	s4 =	rddreg [dreg:$0x1];
	s6 =	simm.s32 $0x1  }
0xd: {  	s11 =	simm.s32 $0x3;
	s13 =	simm.s32 $0x0;
	s8 =	sshrl.u32 s31, $0x16  }
0xe: {  	s12 =	simm.s32 $0x0;
	s5 =	sadd.s32 $0xBE200, s9;
	s10 =	smul.u32 $0x50, s8  }
.Ltmp0:
0xf: {  	s9 =	sadd.s32 $0x11BE00, s9;
	s2 =	rddreg [dreg:$0x2];
	(pc) =	sbr.rel .LBB2_1-.Ltmp0, $4  }
0x10: {  	_ =	strace $0x80000053;
	p0 =	sne.s32 s7, s10;
	s10 =	simm.s32 $0x1  }
0x11: {  	[sflag:s6] =	ssyncpa.u1 $0x0;
	s7 =	simm.s32 $0x2;
	s10 =	simm.s32 @!p0 $0x0  }
0x12: {  	[sflag:s7] =	ssyncpa.u1 $0x0;
	p0 =	por $0x0, $0x0;
	s8 =	sadd.s32 s8, s10  }
0x13: {  	vm0 =	vmmov $0xff;
	vm1 =	vcmask $0x3F20;
	[sflag:s11] =	ssyncpa.u1 $0x0;
	s11 =	smov.u32 s1;
	s10 =	sadd.s32 $0x1, s8  }
.LBB2_6:
0x14: {  	[hbm:s17] =	stream.linear.scatter [tilespmem:s14], [sflag:$0x3], $0x400, $0x38;
	[tilespmem:$0x50A0] =	vst v63  }
.LBB2_7:
0x15: {  	s13 =	sadd.s32 $0x50, s11  }
0x16: {  	s15 =	smov.u32 s1;
	p2 =	slt.s32 s13, s3  }
0x17: {  	s15 =	smov.u32 @p2 s13;
	p2 =	sne.s32 s12, s10  }
.Ltmp1:
0x18: {  	p1 =	slt.u32 s12, $0x2;
	(pc) =	sbr.rel @!p2 .LBB2_8-.Ltmp1, $4  }
0x19: {  	s14 =	simm.s32 @!p1 $0x3  }
0x1a: {  	s16 =	sadd.s32 $0x1, s12;
	_ =	swait.ge @!p1 [sflag:s14], $0x2800  }
0x1b: {  	p0 =	por !p0, !p0;
	s13 =	smov.u32 s11;
	[sflag:s14] =	ssyncset.done @!p1 $0x0  }
0x1c: {  	s12 =	smov.u32 s16;
	s11 =	smov.u32 s15;
	[sflag:s14] =	ssyncadd.s32 @!p1 $0xFFFFD800  }
.LBB2_1:
0x1d: {  	p1 =	sge.u32 s12, s8  }
0x1e: {  	s14 =	sxor.u32 @!p1 $0xFFFFFFFF, s12  }
0x1f: {  	s14 =	sand.u32 @!p1 $0x1, s14  }
0x20: {  	s14 =	smul.u32 @!p1 $0x140, s14  }
0x21: {  	s31 =	sadd.s32 $0xFFFFFFFF, s12;
	s15 =	sshrl.u32 @!p1 s11, $0x3  }
0x22: {  	s16 =	sand.u32 @!p1 $0x7, s11;
	s15 =	sadd.s32 @!p1 s4, s15;
	s14 =	sshrl.u32 @!p1 s14, $0x2  }
0x23: {  	[tilespmem:s14], [sflag:$0x2] =	stream.linear.gather @!p1 [hbm4b:s15+s16], $0x50, $0x38;
	[tilespmem:$0x50A0] =	vst v63  }
0x24: {  	p1 =	sge.u32 s31, s8  }
.Ltmp2:
0x25: {  	_ = 	snop;
	(pc) =	sbr.rel @p1 .LBB2_7-.Ltmp2, $1  }
0x26: {  	_ =	sdelay $0x3  }
0x27: {  	s14 =	simm.s32 $0x1  }
0x28: {  	s14 =	simm.s32 @!p0 $0x0  }
0x29: {  	s15 =	smul.u32 $0x140, s14  }
0x2a: {  	_ =	swait.ge [sflag:s7], $0x50  }
0x2b: {  	[sflag:s7] =	ssyncset.done $0x0;
	s16 =	sshrl.u32 s15, $0x2  }
0x2c: {  	[sflag:s7] =	ssyncadd.s32 $0xFFFFFFB0;
	s15 =	sadd.s32 $0x0, s16  }
0x2d: {  	v0 =	vld.msk [tilespmem:s15+$0x0 ss:$0x1], $0xffff;
	_ =	sdelay $0x4  }
0x2e: {  	vm2 =	vgt.s32 v0, $0x0  }
0x2f: {  	v0 =	vnsel vm2, $0x0, v0  }
0x30: {  	v0 =	vmin.u32 v0, $0x2EDF  }
0x31: {  	v0 =	vshll.u32 v0, $0x4  }
0x32: {  	s14 =	smul.u32 $0xA000, s14;
	_ =	sdelay $0x1  }
0x33: {  	s14 =	sshrl.u32 s14, $0x2  }
0x34: {  	s14 =	sor.u32 $0xA0, s14  }
0x35: {  	[tilespmem:s14], [sflag:$0x1] =	stream.indirect_vreg.gather [hbm:s5], $0x80, v0, vm0, $0x38;
	[tilespmem:$0x50A0] =	vst v63  }
0x36: {  	s17 =	sadd.s32 $0x10, s16;
	s15 =	sadd.s32 $0x400, s14  }
0x37: {  	[tilespmem:s15], [sflag:$0x1] =	stream.indirect_vreg.gather [hbm:s5], $0x80, v0, vm1, $0x38;
	[tilespmem:$0x50A0] =	vst v63  }
0x38: {  	s18 =	simm.s32 $0x80;
	v0 =	vld.msk [tilespmem:s17+$0x0 ss:$0x1], $0xffff;
	s17 =	smov.u32 s14  }
.LBB2_3:
0x39: {  	p1 =	sne.s32 s18, $0x100;
	_ =	sdelay $0x4  }
0x3a: {  	vm2 =	vgt.s32 v0, $0x0  }
0x3b: {  	v0 =	vnsel vm2, $0x0, v0  }
0x3c: {  	v0 =	vmin.u32 v0, $0x2EDF  }
0x3d: {  	v0 =	vshll.u32 v0, $0x4;
	_ =	sdelay $0x3  }
.Ltmp3:
0x3e: {  	s19 =	sshra.s32 s18, $0x2;
	s17 =	sadd.s32 $0x800, s17;
	(pc) =	sbr.rel @p1 .LBB2_3-.Ltmp3, $4  }
0x3f: {  	[tilespmem:s17], [sflag:$0x1] =	stream.indirect_vreg.gather [hbm:s5], $0x80, v0, vm0, $0x38;
	[tilespmem:$0x50A0] =	vst v63  }
0x40: {  	s19 =	sadd.s32 s19, s16;
	s20 =	sadd.s32 $0x400, s17  }
0x41: {  	[tilespmem:s20], [sflag:$0x1] =	stream.indirect_vreg.gather [hbm:s5], $0x80, v0, vm1, $0x38;
	[tilespmem:$0x50A0] =	vst v63  }
0x42: {  	s18 =	sadd.s32 $0x40, s18;
	v0 =	vld.msk [tilespmem:s19+$0x0 ss:$0x1], $0xffff  }
0x43: {  	_ =	sdelay $0x3  }
0x44: {  	vm2 =	vgt.s32 v0, $0x0  }
0x45: {  	v0 =	vnsel vm2, $0x0, v0  }
0x46: {  	v0 =	vmin.u32 v0, $0x2EDF  }
0x47: {  	v0 =	vshll.u32 v0, $0x4;
	_ =	sdelay $0x3  }
0x48: {  	s16 =	sadd.s32 $0x800, s17  }
0x49: {  	[tilespmem:s16], [sflag:$0x1] =	stream.indirect_vreg.gather [hbm:s5], $0x80, v0, vm0, $0x38;
	[tilespmem:$0x50A0] =	vst v63  }
0x4a: {  	s16 =	sadd.s32 $0x400, s16  }
0x4b: {  	[tilespmem:s16], [sflag:$0x1] =	stream.indirect_vreg.gather [hbm:s5], $0x80, v0, vm1, $0x38;
	[tilespmem:$0x50A0] =	vst v63  }
0x4c: {  	s13 =	sshll.u32 s13, $0x4;
	_ =	swait.ge [sflag:s6], $0x2800  }
0x4d: {  	s13 =	sadd.s32 s13, s9;
	[sflag:s6] =	ssyncset.done $0x0  }
0x4e: {  	s17 =	sadd.s32 $0x0, s13;
	s16 =	simm.s32 $0x80;
	[sflag:s6] =	ssyncadd.s32 $0xFFFFD800  }
.LBB2_5:
0x4f: {  	[hbm:s17] =	stream.linear.scatter [tilespmem:s14], [sflag:$0x3], $0x400, $0x38;
	[tilespmem:$0x50A0] =	vst v63  }
0x50: {  	s17 =	smov.u32 s16;
	s14 =	smov.u32 s15;
	p1 =	sne.s32 s16, $0x480  }
.Ltmp4:
0x51: {  	s16 =	sadd.s32 $0x80, s16;
	(pc) =	sbr.rel @p1 .LBB2_5-.Ltmp4, $2  }
0x52: {  	_ =	sdelay $0x2  }
0x53: {  	s15 =	sadd.s32 $0x400, s15;
	s17 =	sadd.s32 s17, s13  }
.Ltmp5:
0x54: {  	_ = 	snop;
	(pc) =	sbr.rel .LBB2_6-.Ltmp5, $1  }
0x55: {  	_ =	sdelay $0x3  }
.LBB2_8:
0x56: {  	_ =	sfence.sel $0x180000  }
0x57: {  	s1 =	simm.s32 $0x2;
	[bflag:$0x0] =	sbarrier.arrive $0xFFFF  }
0x58: {  	s30 =	simm.s32 $0x3;
	[sflag:s1] =	ssyncpa.u1 $0x1  }
0x59: {  	s31 =	simm.s32 $0x1;
	[sflag:s30] =	ssyncpa.u1 $0x1  }
0x5a: {  	[sflag:s31] =	ssyncpa.u1 $0x1  }
0x5b: {  	p0 =	sne.s32 s0, $0x0;
	_ =	strace $0x90000053  }
0x5c: {  	s0 =	sadd.s32 @!p0 $0x100000, s2;
	[bflag:$0x2] =	sbarrier.arrive $0xFFFF  }
0x5d: {  	[sflag:s0] =	ssyncadd.tile.s32 @!p0 $0x1;
	_ =	shalt  }
.Lfunc_end2:
_tile_overlayer_lowered:
.L_overlay_start_2:
0x5e: {  	(tag) =	ssettag $0x2  }
0x5f: {  	s0 =	rddreg [dreg:$0x0];
	s2 =	stileid.u32  }
0x60: {  	s1 =	rddreg [dreg:$0x1];
	p0 =	sne.s32 s2, $0x0  }
0x61: {  	s3 =	rddreg [dreg:$0x2];
	[bflag:$0x3] =	sbarrier.arrive $0xFFFF;
	s2 =	simm.s32 @!p0 $0x1C01  }
0x62: {  	[timem:s3], [sflag:s2] =	dma.local @!p0 [hbm:s0], s1  }
0x63: {  	s0 =	simm.s32 @!p0 $0x1  }
0x64: {  	_ =	swait.ge @!p0 [sflag:s0], s1  }
0x65: {  	s1 =	ssub.s32 @!p0 $0x0, s1;
	[sflag:s0] =	ssyncset.done @!p0 $0x0  }
0x66: {  	[sflag:s0] =	ssyncadd.s32 @!p0 s1  }
0x67: {  	[bflag:$0x3] =	sbarrier.arrive $0xFFFF  }
0x68: {  	_ =	shalt  }

// kernel: gather_offload_async_start
scs
__scs_entry_jumppad:
0x0: {  	(pc) =	sbr.rel $0x88, $3  }
0x1: {  	(tag) =	ssettag $0x0;
	lr =	simm.s32 $0x1  }
0x2: {  	[smem:$0x3F99] =	sst lr;
	_ =	strace $0xD0000000  }
0x3: {  	_ = 	snop  }
0x4: {  	_ = 	snop  }
0x5: {  	_ = 	snop  }
0x6: {  	_ = 	snop  }
0x7: {  	_ = 	snop  }
__scs_overlays_trampoline_lowered:
0x8: {  	[smem:$0x3FA8] =	sst s0  }
0x9: {  	[smem:$0x3FA9] =	sst s1  }
0xa: {  	[smem:$0x3FAA] =	sst s2  }
0xb: {  	[smem:$0x3FAB] =	sst s3  }
0xc: {  	[smem:$0x3FAC] =	sst s4  }
0xd: {  	[smem:$0x3FAD] =	sst s5  }
0xe: {  	[smem:$0x3FAE] =	sst s6  }
0xf: {  	[smem:$0x3FAF] =	sst s7  }
0x10: {  	[smem:$0x3FB0] =	sst s8  }
0x11: {  	[smem:$0x3FB1] =	sst s9;
	s0 =	simm.s32 @!p0 $0x0  }
0x12: {  	s1 =	sld [smem:$0x3F97];
	s0 =	simm.s32 @p0 $0x1  }
0x13: {  	[smem:$0x3FB2] =	sst s0;
	s0 =	simm.s32 @!p1 $0x0  }
0x14: {  	s2 =	sld [smem:$0x3F96];
	s0 =	simm.s32 @p1 $0x1  }
0x15: {  	[smem:$0x3FB3] =	sst s0;
	s0 =	simm.s32 @!p2 $0x0  }
0x16: {  	s3 =	sld [smem:$0x3FDB];
	s0 =	simm.s32 @p2 $0x1  }
0x17: {  	s4 =	simm.s32 $0x1BF5;
	[smem:$0x3FB5] =	sst s0  }
0x18: {  	s0 =	sld [smem:$0x3F98];
	_ =	swait.ge [sflag:s4], $0x0  }
0x19: {  	s7 =	sld [smem:$0x3F99]  }
0x1a: {  	s8 =	sadd.s32 $0xFFFFE003, lr  }
0x1b: {  	s9 =	sadd.s32 $0xFFFFFEF7, lr;
	s5 =	simm.s32 $0xFFFFFFFF;
	p2 =	slt.u32 s8, $0xFFFFF086  }
0x1c: {  	p1 =	slt.u32 s9, $0xF7A;
	s5 =	simm.s32 @!p2 $0x0  }
0x1d: {  	s5 =	simm.s32 @p1 $0x1;
	p0 =	seq.s32 s7, s2  }
0x1e: {  	s7 =	smul.u32 @!p0 $0xF7A, s2;
	p2 =	seq.s32 @!p0 s5, $0x0  }
0x1f: {  	s9 =	smul.u32 $0xF7A, s1;
	s8 =	simm.s32 @!p0 $0x1BF5;
	p2 =	por !p2, p0  }
0x20: {  	[sflag:s8] =	ssyncset.s32 @!p0 $0xFFFFF086;
	s6 =	sadd.s32 @!p0 s3, s7;
	s7 =	simm.s32 @!p0 $0x108  }
0x21: {  	s3 =	sadd.s32 s3, s9;
	s6 =	sadd.s32 @!p0 $0x88, s6;
	s7 =	simm.s32 @p2 $0x1082  }
0x22: {  	[simem:s7], [sflag:s8] =	dma.local @!p0 [hbm:s6], $0xF7A  }
0x23: {  	s9 =	sor.u32 $0xD0000000, s2;
	s6 =	simm.s32 $0x108;
	_ =	swait.ge @!p0 [sflag:s8], $0x0  }
0x24: {  	s3 =	sadd.s32 $0x88, s3;
	s6 =	simm.s32 @!p1 $0x1082;
	[sflag:s4] =	ssyncset.s32 $0xFFFFF086  }
0x25: {  	[simem:s6], [sflag:s4] =	dma.local [hbm:s3], $0xF7A  }
0x26: {  	[smem:$0x3F99] =	sst s1;
	(tag) =	ssettag s2;
	_ =	strace s9  }
0x27: {  	s1 =	sld [smem:$0x3FA9]  }
0x28: {  	s2 =	sld [smem:$0x3FAA]  }
0x29: {  	s4 =	sld [smem:$0x3FAC]  }
0x2a: {  	p0 =	seq.s32 s5, $0x0;
	s5 =	sld [smem:$0x3FAD]  }
0x2b: {  	s6 =	sld [smem:$0x3FAE]  }
0x2c: {  	s7 =	sld [smem:$0x3FAF]  }
0x2d: {  	s3 =	simm.s32 $0x108;
	s8 =	sld [smem:$0x3FB0]  }
0x2e: {  	s3 =	simm.s32 @!p0 $0x1082;
	s9 =	sld [smem:$0x3FB1]  }
0x2f: {  	lr =	sadd.s32 s0, s3;
	s0 =	sld [smem:$0x3FA8]  }
0x30: {  	s3 =	sld [smem:$0x3FAB]  }
0x31: {  	[smem:$0x3FB4] =	sst s10  }
0x32: {  	s10 =	sld [smem:$0x3FB2];
	_ =	sdelay $0x3  }
0x33: {  	p0 =	seq.s32 s10, $0x1;
	s10 =	sld [smem:$0x3FB4];
	_ =	sdelay $0x3  }
0x34: {  	[smem:$0x3FB4] =	sst s10  }
0x35: {  	s10 =	sld [smem:$0x3FB3];
	_ =	sdelay $0x3  }
0x36: {  	p1 =	seq.s32 s10, $0x1;
	s10 =	sld [smem:$0x3FB4];
	_ =	sdelay $0x3  }
0x37: {  	[smem:$0x3FB4] =	sst s10  }
0x38: {  	s10 =	sld [smem:$0x3FB5]  }
0x39: {  	_ = 	snop;
	(pc) =	sbr.ind lr, $3  }
0x3a: {  	_ = 	snop  }
0x3b: {  	_ = 	snop  }
0x3c: {  	p2 =	seq.s32 s10, $0x1;
	s10 =	sld [smem:$0x3FB4]  }
0x3d: {  	_ =	shalt  }
0x3e: {  	_ =	shalt  }
0x3f: {  	_ =	shalt  }
0x40: {  	_ =	shalt  }
0x41: {  	_ =	shalt  }
0x42: {  	_ =	shalt  }
0x43: {  	_ =	shalt  }
0x44: {  	_ =	shalt  }
0x45: {  	_ =	shalt  }
0x46: {  	_ =	shalt  }
0x47: {  	_ =	shalt  }
0x48: {  	_ =	shalt  }
0x49: {  	_ =	shalt  }
0x4a: {  	_ =	shalt  }
0x4b: {  	_ =	shalt  }
0x4c: {  	_ =	shalt  }
0x4d: {  	_ =	shalt  }
0x4e: {  	_ =	shalt  }
0x4f: {  	_ =	shalt  }
0x50: {  	_ =	shalt  }
0x51: {  	_ =	shalt  }
0x52: {  	_ =	shalt  }
0x53: {  	_ =	shalt  }
0x54: {  	_ =	shalt  }
0x55: {  	_ =	shalt  }
0x56: {  	_ =	shalt  }
0x57: {  	_ =	shalt  }
0x58: {  	_ =	shalt  }
0x59: {  	_ =	shalt  }
0x5a: {  	_ =	shalt  }
0x5b: {  	_ =	shalt  }
0x5c: {  	_ =	shalt  }
0x5d: {  	_ =	shalt  }
0x5e: {  	_ =	shalt  }
0x5f: {  	_ =	shalt  }
0x60: {  	_ =	shalt  }
0x61: {  	_ =	shalt  }
0x62: {  	_ =	shalt  }
0x63: {  	_ =	shalt  }
0x64: {  	_ =	shalt  }
0x65: {  	_ =	shalt  }
0x66: {  	_ =	shalt  }
0x67: {  	_ =	shalt  }
0x68: {  	_ =	shalt  }
0x69: {  	_ =	shalt  }
0x6a: {  	_ =	shalt  }
0x6b: {  	_ =	shalt  }
0x6c: {  	_ =	shalt  }
0x6d: {  	_ =	shalt  }
0x6e: {  	_ =	shalt  }
0x6f: {  	_ =	shalt  }
0x70: {  	_ =	shalt  }
0x71: {  	_ =	shalt  }
0x72: {  	_ =	shalt  }
0x73: {  	_ =	shalt  }
0x74: {  	_ =	shalt  }
0x75: {  	_ =	shalt  }
0x76: {  	_ =	shalt  }
0x77: {  	_ =	shalt  }
0x78: {  	_ =	shalt  }
0x79: {  	_ =	shalt  }
0x7a: {  	_ =	shalt  }
0x7b: {  	_ =	shalt  }
0x7c: {  	_ =	shalt  }
0x7d: {  	_ =	shalt  }
0x7e: {  	_ =	shalt  }
0x7f: {  	_ =	shalt  }
0x80: {  	_ =	shalt  }
0x81: {  	_ =	shalt  }
0x82: {  	_ =	shalt  }
0x83: {  	_ =	shalt  }
0x84: {  	_ =	shalt  }
0x85: {  	_ =	shalt  }
0x86: {  	_ =	shalt  }
0x87: {  	_ =	shalt  }
.Lfunc_end0:
.L_simem_size_0:
called_computation.2_lowered:
.L_overlay_start_0:
0x88: {  	s0 =	sld [smem:$0x3FD9]  }
0x89: {  	s1 =	sld [smem:$0x3FFE];
	_ =	sdelay $0x3  }
0x8a: {  	s0 =	sadd.s32 s1, s0  }
0x8b: {  	[smem:$0x3FC0] =	sst s0  }
0x8c: {  	_ = 	snop  }
0x8d: {  	s0 =	sld [smem:$0x3FD0];
	_ =	sdelay $0x2  }
0x8e: {  	s13 =	simm.s32 $0xB;
	s2 =	simm.s32 $0x10  }
0x8f: {  	[smem:s2], [sflag:s13] =	dma.local [hbm:s0], $0x1  }
0x90: {  	_ =	swait.eq [sflag:s13], $0x1  }
0x91: {  	[sflag:s13] =	ssyncset.done $0x0  }
0x92: {  	[sflag:s13] =	ssyncadd.s32 $0xFFFFFFFF  }
0x93: {  	s14 =	sld [smem:$0x13];
	(tm) =	ssettm $0x1  }
0x94: {  	s15 =	sld [smem:$0x3FFB];
	_ =	sdelay $0x3  }
0x95: {  	_ =	strace s15  }
0x96: {  	s1 =	sld [smem:$0x3FFC];
	_ =	sdelay $0x3  }
0x97: {  	_ =	strace s1  }
0x98: {  	s1 =	sld [smem:$0x3FFD];
	_ =	sdelay $0x3  }
0x99: {  	_ =	strace s1  }
0x9a: {  	_ =	strace $0x8FFFFFFF  }
0x9b: {  	s16 =	sld [smem:$0x3FDB];
	_ =	sdelay $0x1  }
0x9c: {  	s17 =	simm.s32 $_scs_section_size  }
0x9d: {  	s3 =	simm.s32 $_size__tile_overlayer_lowered;
	s4 =	simm.s32 $_tile_overlayer_lowered  }
0x9e: {  	s20 =	simm.s32 $0x1BFF;
	s19 =	sshll.u32 s4, $0x1;
	s1 =	sadd.s32 s17, s16  }
0x9f: {  	s5 =	simm.s32 $0x0;
	s18 =	sshll.u32 s3, $0x1;
	s3 =	sadd.s32 s19, s1  }
0xa0: {  	[timem:s5], [sflag:s20] =	dma.local [hbm:s3], s18  }
0xa1: {  	_ =	swait.ge [sflag:s20], s18  }
0xa2: {  	s2 =	ssub.s32 $0x0, s18;
	[sflag:s20] =	ssyncset.done $0x0  }
0xa3: {  	[sflag:s20] =	ssyncadd.s32 s2;
	_ =	sdelay $0x1  }
0xa4: {  	s21 =	simm.s32 $0x1B8B  }
0xa5: {  	_ =	swait.ge [sflag:s21], $0x1  }
0xa6: {  	[sflag:s21] =	ssyncset.done $0x0  }
0xa7: {  	s23 =	simm.s32 $0x1B8E;
	s22 =	sld [smem:$0x3FFE];
	[sflag:s21] =	ssyncadd.s32 $0xFFFFFFFF  }
0xa8: {  	s24 =	simm.s32 $execute0_lowered;
	[smem:$0x3FD2] =	sst s23  }
0xa9: {  	s3 =	sshll.u32 s24, $0x1;
	_ =	strace $0x80000058;
	[dreg:$0x1] =	wrdreg $0xFFFFFFFF  }
0xaa: {  	s25 =	simm.s32 $_size_execute0_lowered;
	s1 =	sadd.s32 s1, s3;
	[dreg:$0x0] =	wrdreg $0x0  }
0xab: {  	s3 =	sshll.u32 s25, $0x1;
	[dreg:$0x2] =	wrdreg s1  }
0xac: {  	[dreg:$0x3] =	wrdreg s3  }
0xad: {  	[dreg:$0x4] =	wrdreg $0xC0  }
0xae: {  	_ =	task [dreg:s5], $0x5FFFF  }
0xaf: {  	[dreg:$0x1] =	wrdreg $0xFFFFFFFF  }
0xb0: {  	[dreg:$0x0] =	wrdreg $0x60  }
0xb1: {  	[dreg:$0x2] =	wrdreg s22  }
0xb2: {  	[dreg:$0x3] =	wrdreg s14  }
0xb3: {  	[dreg:$0x4] =	wrdreg $0x9  }
0xb4: {  	_ =	task.clear_ibuf [dreg:s5], $0x5FFFF;
	_ =	strace $0x90000058  }
0xb5: {  	s26 =	simm.s32 $0x9;
	_ =	strace $0x8000005A  }
0xb6: {  	_ =	swait.ge [sflag:s26], $0x1  }
0xb7: {  	[sflag:s26] =	ssyncadd.s32 $0xFFFFFFFF  }
0xb8: {  	_ =	strace $0x9000005A  }
0xb9: {  	_ =	sfence  }
0xba: {  	s28 =	sld [smem:$0x0];
	_ =	sdelay $0x1  }
0xbb: {  	s29 =	srdreg.scid  }
0xbc: {  	s30 =	sshll.u32 s29, $0xD;
	s31 =	sshrl.u32 s29, $0x2  }
0xbd: {  	s2 =	sand.u32 $0x4000, s30;
	s1 =	sand.u32 $0x1, s29;
	s0 =	sadd.s32 s31, s28  }
0xbe: {  	s1 =	sor.u32 s2, s1;
	s0 =	sshll.u32 s0, $0x11  }
0xbf: {  	s0 =	sor.u32 s0, s1  }
0xc0: {  	s0 =	sadd.s32 $0x8F2B, s0  }
0xc1: {  	[sflag:s0] =	ssyncadd.remote.s32 $0x1  }
0xc2: {  	_ =	sfence.sel $0xFFFF  }
0xc3: {  	[dreg:$0x0] =	wrdreg $0xFFFFFFFF;
	(pc) =	sbr.abs _section_cstart, $3  }
0xc4: {  	[dreg:$0x1] =	wrdreg $0xFFFFFFFF  }
0xc5: {  	_ =	task.clear_ibuf [dreg:s5], $0x2FFFF;
	_ =	strace $0x9FFFFFFF  }
0xc6: {  	(tm) =	ssettm $0x7FFFFFFF  }
0xc7: {  	_ =	shalt  }
tec
execute0_lowered:
.L_overlay_start_1:
0x0: {  	(tag) =	ssettag $0x1  }
0x1: {  	s0 =	stileid.u32  }
0x2: {  	s1 =	smin.u32 s0, $0x9  }
0x3: {  	s1 =	sadd.s32 s0, s1  }
0x4: {  	s2 =	simm.s32 $0xA0;
	p0 =	slt.u32 s0, $0x9;
	s1 =	smul.u32 $0x50, s1  }
0x5: {  	s2 =	simm.s32 @!p0 $0x50  }
0x6: {  	s2 =	sadd.s32 s2, s1  }
0x7: {  	s3 =	smin.u32 s2, $0x7D0  }
0x8: {  	s7 =	ssub.s32 s3, s1  }
0x9: {  	p0 =	sgt.s32 s7, $0x0  }
0xa: {  	s7 =	simm.s32 @!p0 $0x0  }
0xb: {  	s9 =	rddreg [dreg:$0x0];
	s31 =	smul.u32 $0xCCCD, s7  }
0xc: {  	s4 =	rddreg [dreg:$0x1];
	s6 =	simm.s32 $0x1  }
0xd: {  	s11 =	simm.s32 $0x3;
	s13 =	simm.s32 $0x0;
	s8 =	sshrl.u32 s31, $0x16  }
0xe: {  	s12 =	simm.s32 $0x0;
	s5 =	sadd.s32 $0xED000, s9;
	s10 =	smul.u32 $0x50, s8  }
.Ltmp0:
0xf: {  	s9 =	sadd.s32 $0x123C00, s9;
	s2 =	rddreg [dreg:$0x2];
	(pc) =	sbr.rel .LBB2_1-.Ltmp0, $4  }
0x10: {  	_ =	strace $0x80000059;
	p0 =	sne.s32 s7, s10;
	s10 =	simm.s32 $0x1  }
0x11: {  	[sflag:s6] =	ssyncpa.u1 $0x0;
	s7 =	simm.s32 $0x2;
	s10 =	simm.s32 @!p0 $0x0  }
0x12: {  	[sflag:s7] =	ssyncpa.u1 $0x0;
	p0 =	por $0x0, $0x0;
	s8 =	sadd.s32 s8, s10  }
0x13: {  	vm0 =	vmmov $0xff;
	vm1 =	vcmask $0x3F20;
	[sflag:s11] =	ssyncpa.u1 $0x0;
	s11 =	smov.u32 s1;
	s10 =	sadd.s32 $0x1, s8  }
.LBB2_6:
0x14: {  	[hbm:s17] =	stream.linear.scatter [tilespmem:s14], [sflag:$0x3], $0x400, $0x38;
	[tilespmem:$0x50A0] =	vst v63  }
.LBB2_7:
0x15: {  	s13 =	sadd.s32 $0x50, s11  }
0x16: {  	s15 =	smov.u32 s1;
	p2 =	slt.s32 s13, s3  }
0x17: {  	s15 =	smov.u32 @p2 s13;
	p2 =	sne.s32 s12, s10  }
.Ltmp1:
0x18: {  	p1 =	slt.u32 s12, $0x2;
	(pc) =	sbr.rel @!p2 .LBB2_8-.Ltmp1, $4  }
0x19: {  	s14 =	simm.s32 @!p1 $0x3  }
0x1a: {  	s16 =	sadd.s32 $0x1, s12;
	_ =	swait.ge @!p1 [sflag:s14], $0x2800  }
0x1b: {  	p0 =	por !p0, !p0;
	s13 =	smov.u32 s11;
	[sflag:s14] =	ssyncset.done @!p1 $0x0  }
0x1c: {  	s12 =	smov.u32 s16;
	s11 =	smov.u32 s15;
	[sflag:s14] =	ssyncadd.s32 @!p1 $0xFFFFD800  }
.LBB2_1:
0x1d: {  	p1 =	sge.u32 s12, s8  }
0x1e: {  	s14 =	sxor.u32 @!p1 $0xFFFFFFFF, s12  }
0x1f: {  	s14 =	sand.u32 @!p1 $0x1, s14  }
0x20: {  	s14 =	smul.u32 @!p1 $0x140, s14  }
0x21: {  	s31 =	sadd.s32 $0xFFFFFFFF, s12;
	s15 =	sshrl.u32 @!p1 s11, $0x3  }
0x22: {  	s16 =	sand.u32 @!p1 $0x7, s11;
	s15 =	sadd.s32 @!p1 s4, s15;
	s14 =	sshrl.u32 @!p1 s14, $0x2  }
0x23: {  	[tilespmem:s14], [sflag:$0x2] =	stream.linear.gather @!p1 [hbm4b:s15+s16], $0x50, $0x38;
	[tilespmem:$0x50A0] =	vst v63  }
0x24: {  	p1 =	sge.u32 s31, s8  }
.Ltmp2:
0x25: {  	_ = 	snop;
	(pc) =	sbr.rel @p1 .LBB2_7-.Ltmp2, $1  }
0x26: {  	_ =	sdelay $0x3  }
0x27: {  	s14 =	simm.s32 $0x1  }
0x28: {  	s14 =	simm.s32 @!p0 $0x0  }
0x29: {  	s15 =	smul.u32 $0x140, s14  }
0x2a: {  	_ =	swait.ge [sflag:s7], $0x50  }
0x2b: {  	[sflag:s7] =	ssyncset.done $0x0;
	s16 =	sshrl.u32 s15, $0x2  }
0x2c: {  	[sflag:s7] =	ssyncadd.s32 $0xFFFFFFB0;
	s15 =	sadd.s32 $0x0, s16  }
0x2d: {  	v0 =	vld.msk [tilespmem:s15+$0x0 ss:$0x1], $0xffff;
	_ =	sdelay $0x4  }
0x2e: {  	vm2 =	vgt.s32 v0, $0x0  }
0x2f: {  	v0 =	vnsel vm2, $0x0, v0  }
0x30: {  	v0 =	vmin.u32 v0, $0x2EDF  }
0x31: {  	v0 =	vshll.u32 v0, $0x4  }
0x32: {  	s14 =	smul.u32 $0xA000, s14;
	_ =	sdelay $0x1  }
0x33: {  	s14 =	sshrl.u32 s14, $0x2  }
0x34: {  	s14 =	sor.u32 $0xA0, s14  }
0x35: {  	[tilespmem:s14], [sflag:$0x1] =	stream.indirect_vreg.gather [hbm:s5], $0x80, v0, vm0, $0x38;
	[tilespmem:$0x50A0] =	vst v63  }
0x36: {  	s17 =	sadd.s32 $0x10, s16;
	s15 =	sadd.s32 $0x400, s14  }
0x37: {  	[tilespmem:s15], [sflag:$0x1] =	stream.indirect_vreg.gather [hbm:s5], $0x80, v0, vm1, $0x38;
	[tilespmem:$0x50A0] =	vst v63  }
0x38: {  	s18 =	simm.s32 $0x80;
	v0 =	vld.msk [tilespmem:s17+$0x0 ss:$0x1], $0xffff;
	s17 =	smov.u32 s14  }
.LBB2_3:
0x39: {  	p1 =	sne.s32 s18, $0x100;
	_ =	sdelay $0x4  }
0x3a: {  	vm2 =	vgt.s32 v0, $0x0  }
0x3b: {  	v0 =	vnsel vm2, $0x0, v0  }
0x3c: {  	v0 =	vmin.u32 v0, $0x2EDF  }
0x3d: {  	v0 =	vshll.u32 v0, $0x4;
	_ =	sdelay $0x3  }
.Ltmp3:
0x3e: {  	s19 =	sshra.s32 s18, $0x2;
	s17 =	sadd.s32 $0x800, s17;
	(pc) =	sbr.rel @p1 .LBB2_3-.Ltmp3, $4  }
0x3f: {  	[tilespmem:s17], [sflag:$0x1] =	stream.indirect_vreg.gather [hbm:s5], $0x80, v0, vm0, $0x38;
	[tilespmem:$0x50A0] =	vst v63  }
0x40: {  	s19 =	sadd.s32 s19, s16;
	s20 =	sadd.s32 $0x400, s17  }
0x41: {  	[tilespmem:s20], [sflag:$0x1] =	stream.indirect_vreg.gather [hbm:s5], $0x80, v0, vm1, $0x38;
	[tilespmem:$0x50A0] =	vst v63  }
0x42: {  	s18 =	sadd.s32 $0x40, s18;
	v0 =	vld.msk [tilespmem:s19+$0x0 ss:$0x1], $0xffff  }
0x43: {  	_ =	sdelay $0x3  }
0x44: {  	vm2 =	vgt.s32 v0, $0x0  }
0x45: {  	v0 =	vnsel vm2, $0x0, v0  }
0x46: {  	v0 =	vmin.u32 v0, $0x2EDF  }
0x47: {  	v0 =	vshll.u32 v0, $0x4;
	_ =	sdelay $0x3  }
0x48: {  	s16 =	sadd.s32 $0x800, s17  }
0x49: {  	[tilespmem:s16], [sflag:$0x1] =	stream.indirect_vreg.gather [hbm:s5], $0x80, v0, vm0, $0x38;
	[tilespmem:$0x50A0] =	vst v63  }
0x4a: {  	s16 =	sadd.s32 $0x400, s16  }
0x4b: {  	[tilespmem:s16], [sflag:$0x1] =	stream.indirect_vreg.gather [hbm:s5], $0x80, v0, vm1, $0x38;
	[tilespmem:$0x50A0] =	vst v63  }
0x4c: {  	s13 =	sshll.u32 s13, $0x4;
	_ =	swait.ge [sflag:s6], $0x2800  }
0x4d: {  	s13 =	sadd.s32 s13, s9;
	[sflag:s6] =	ssyncset.done $0x0  }
0x4e: {  	s17 =	sadd.s32 $0x0, s13;
	s16 =	simm.s32 $0x80;
	[sflag:s6] =	ssyncadd.s32 $0xFFFFD800  }
.LBB2_5:
0x4f: {  	[hbm:s17] =	stream.linear.scatter [tilespmem:s14], [sflag:$0x3], $0x400, $0x38;
	[tilespmem:$0x50A0] =	vst v63  }
0x50: {  	s17 =	smov.u32 s16;
	s14 =	smov.u32 s15;
	p1 =	sne.s32 s16, $0x480  }
.Ltmp4:
0x51: {  	s16 =	sadd.s32 $0x80, s16;
	(pc) =	sbr.rel @p1 .LBB2_5-.Ltmp4, $2  }
0x52: {  	_ =	sdelay $0x2  }
0x53: {  	s15 =	sadd.s32 $0x400, s15;
	s17 =	sadd.s32 s17, s13  }
.Ltmp5:
0x54: {  	_ = 	snop;
	(pc) =	sbr.rel .LBB2_6-.Ltmp5, $1  }
0x55: {  	_ =	sdelay $0x3  }
.LBB2_8:
0x56: {  	_ =	sfence.sel $0x180000  }
0x57: {  	s1 =	simm.s32 $0x2;
	[bflag:$0x0] =	sbarrier.arrive $0xFFFF  }
0x58: {  	s30 =	simm.s32 $0x3;
	[sflag:s1] =	ssyncpa.u1 $0x1  }
0x59: {  	s31 =	simm.s32 $0x1;
	[sflag:s30] =	ssyncpa.u1 $0x1  }
0x5a: {  	[sflag:s31] =	ssyncpa.u1 $0x1  }
0x5b: {  	p0 =	sne.s32 s0, $0x0;
	_ =	strace $0x90000059  }
0x5c: {  	s0 =	sadd.s32 @!p0 $0x100000, s2;
	[bflag:$0x2] =	sbarrier.arrive $0xFFFF  }
0x5d: {  	[sflag:s0] =	ssyncadd.tile.s32 @!p0 $0x1;
	_ =	shalt  }
.Lfunc_end2:
_tile_overlayer_lowered:
.L_overlay_start_2:
0x5e: {  	(tag) =	ssettag $0x2  }
0x5f: {  	s0 =	rddreg [dreg:$0x0];
	s2 =	stileid.u32  }
0x60: {  	s1 =	rddreg [dreg:$0x1];
	p0 =	sne.s32 s2, $0x0  }
0x61: {  	s3 =	rddreg [dreg:$0x2];
	[bflag:$0x3] =	sbarrier.arrive $0xFFFF;
	s2 =	simm.s32 @!p0 $0x1C01  }
0x62: {  	[timem:s3], [sflag:s2] =	dma.local @!p0 [hbm:s0], s1  }
0x63: {  	s0 =	simm.s32 @!p0 $0x1  }
0x64: {  	_ =	swait.ge @!p0 [sflag:s0], s1  }
0x65: {  	s1 =	ssub.s32 @!p0 $0x0, s1;
	[sflag:s0] =	ssyncset.done @!p0 $0x0  }
0x66: {  	[sflag:s0] =	ssyncadd.s32 @!p0 s1  }
0x67: {  	[bflag:$0x3] =	sbarrier.arrive $0xFFFF  }
0x68: {  	_ =	shalt  }

// kernel: kernel.5.cloned.1.call-start
scs
__scs_entry_jumppad:
0x0: {  	(pc) =	sbr.rel $0x88, $3  }
0x1: {  	(tag) =	ssettag $0x0;
	lr =	simm.s32 $0x1  }
0x2: {  	[smem:$0x3F99] =	sst lr;
	_ =	strace $0xD0000000  }
0x3: {  	_ = 	snop  }
0x4: {  	_ = 	snop  }
0x5: {  	_ = 	snop  }
0x6: {  	_ = 	snop  }
0x7: {  	_ = 	snop  }
__scs_overlays_trampoline_lowered:
0x8: {  	[smem:$0x3FA8] =	sst s0  }
0x9: {  	[smem:$0x3FA9] =	sst s1  }
0xa: {  	[smem:$0x3FAA] =	sst s2  }
0xb: {  	[smem:$0x3FAB] =	sst s3  }
0xc: {  	[smem:$0x3FAC] =	sst s4  }
0xd: {  	[smem:$0x3FAD] =	sst s5  }
0xe: {  	[smem:$0x3FAE] =	sst s6  }
0xf: {  	[smem:$0x3FAF] =	sst s7  }
0x10: {  	[smem:$0x3FB0] =	sst s8  }
0x11: {  	[smem:$0x3FB1] =	sst s9;
	s0 =	simm.s32 @!p0 $0x0  }
0x12: {  	s1 =	sld [smem:$0x3F97];
	s0 =	simm.s32 @p0 $0x1  }
0x13: {  	[smem:$0x3FB2] =	sst s0;
	s0 =	simm.s32 @!p1 $0x0  }
0x14: {  	s2 =	sld [smem:$0x3F96];
	s0 =	simm.s32 @p1 $0x1  }
0x15: {  	[smem:$0x3FB3] =	sst s0;
	s0 =	simm.s32 @!p2 $0x0  }
0x16: {  	s3 =	sld [smem:$0x3FDB];
	s0 =	simm.s32 @p2 $0x1  }
0x17: {  	s4 =	simm.s32 $0x1BF5;
	[smem:$0x3FB5] =	sst s0  }
0x18: {  	s0 =	sld [smem:$0x3F98];
	_ =	swait.ge [sflag:s4], $0x0  }
0x19: {  	s7 =	sld [smem:$0x3F99]  }
0x1a: {  	s8 =	sadd.s32 $0xFFFFE003, lr  }
0x1b: {  	s9 =	sadd.s32 $0xFFFFFEF7, lr;
	s5 =	simm.s32 $0xFFFFFFFF;
	p2 =	slt.u32 s8, $0xFFFFF086  }
0x1c: {  	p1 =	slt.u32 s9, $0xF7A;
	s5 =	simm.s32 @!p2 $0x0  }
0x1d: {  	s5 =	simm.s32 @p1 $0x1;
	p0 =	seq.s32 s7, s2  }
0x1e: {  	s7 =	smul.u32 @!p0 $0xF7A, s2;
	p2 =	seq.s32 @!p0 s5, $0x0  }
0x1f: {  	s9 =	smul.u32 $0xF7A, s1;
	s8 =	simm.s32 @!p0 $0x1BF5;
	p2 =	por !p2, p0  }
0x20: {  	[sflag:s8] =	ssyncset.s32 @!p0 $0xFFFFF086;
	s6 =	sadd.s32 @!p0 s3, s7;
	s7 =	simm.s32 @!p0 $0x108  }
0x21: {  	s3 =	sadd.s32 s3, s9;
	s6 =	sadd.s32 @!p0 $0x88, s6;
	s7 =	simm.s32 @p2 $0x1082  }
0x22: {  	[simem:s7], [sflag:s8] =	dma.local @!p0 [hbm:s6], $0xF7A  }
0x23: {  	s9 =	sor.u32 $0xD0000000, s2;
	s6 =	simm.s32 $0x108;
	_ =	swait.ge @!p0 [sflag:s8], $0x0  }
0x24: {  	s3 =	sadd.s32 $0x88, s3;
	s6 =	simm.s32 @!p1 $0x1082;
	[sflag:s4] =	ssyncset.s32 $0xFFFFF086  }
0x25: {  	[simem:s6], [sflag:s4] =	dma.local [hbm:s3], $0xF7A  }
0x26: {  	[smem:$0x3F99] =	sst s1;
	(tag) =	ssettag s2;
	_ =	strace s9  }
0x27: {  	s1 =	sld [smem:$0x3FA9]  }
0x28: {  	s2 =	sld [smem:$0x3FAA]  }
0x29: {  	s4 =	sld [smem:$0x3FAC]  }
0x2a: {  	p0 =	seq.s32 s5, $0x0;
	s5 =	sld [smem:$0x3FAD]  }
0x2b: {  	s6 =	sld [smem:$0x3FAE]  }
0x2c: {  	s7 =	sld [smem:$0x3FAF]  }
0x2d: {  	s3 =	simm.s32 $0x108;
	s8 =	sld [smem:$0x3FB0]  }
0x2e: {  	s3 =	simm.s32 @!p0 $0x1082;
	s9 =	sld [smem:$0x3FB1]  }
0x2f: {  	lr =	sadd.s32 s0, s3;
	s0 =	sld [smem:$0x3FA8]  }
0x30: {  	s3 =	sld [smem:$0x3FAB]  }
0x31: {  	[smem:$0x3FB4] =	sst s10  }
0x32: {  	s10 =	sld [smem:$0x3FB2];
	_ =	sdelay $0x3  }
0x33: {  	p0 =	seq.s32 s10, $0x1;
	s10 =	sld [smem:$0x3FB4];
	_ =	sdelay $0x3  }
0x34: {  	[smem:$0x3FB4] =	sst s10  }
0x35: {  	s10 =	sld [smem:$0x3FB3];
	_ =	sdelay $0x3  }
0x36: {  	p1 =	seq.s32 s10, $0x1;
	s10 =	sld [smem:$0x3FB4];
	_ =	sdelay $0x3  }
0x37: {  	[smem:$0x3FB4] =	sst s10  }
0x38: {  	s10 =	sld [smem:$0x3FB5]  }
0x39: {  	_ = 	snop;
	(pc) =	sbr.ind lr, $3  }
0x3a: {  	_ = 	snop  }
0x3b: {  	_ = 	snop  }
0x3c: {  	p2 =	seq.s32 s10, $0x1;
	s10 =	sld [smem:$0x3FB4]  }
0x3d: {  	_ =	shalt  }
0x3e: {  	_ =	shalt  }
0x3f: {  	_ =	shalt  }
0x40: {  	_ =	shalt  }
0x41: {  	_ =	shalt  }
0x42: {  	_ =	shalt  }
0x43: {  	_ =	shalt  }
0x44: {  	_ =	shalt  }
0x45: {  	_ =	shalt  }
0x46: {  	_ =	shalt  }
0x47: {  	_ =	shalt  }
0x48: {  	_ =	shalt  }
0x49: {  	_ =	shalt  }
0x4a: {  	_ =	shalt  }
0x4b: {  	_ =	shalt  }
0x4c: {  	_ =	shalt  }
0x4d: {  	_ =	shalt  }
0x4e: {  	_ =	shalt  }
0x4f: {  	_ =	shalt  }
0x50: {  	_ =	shalt  }
0x51: {  	_ =	shalt  }
0x52: {  	_ =	shalt  }
0x53: {  	_ =	shalt  }
0x54: {  	_ =	shalt  }
0x55: {  	_ =	shalt  }
0x56: {  	_ =	shalt  }
0x57: {  	_ =	shalt  }
0x58: {  	_ =	shalt  }
0x59: {  	_ =	shalt  }
0x5a: {  	_ =	shalt  }
0x5b: {  	_ =	shalt  }
0x5c: {  	_ =	shalt  }
0x5d: {  	_ =	shalt  }
0x5e: {  	_ =	shalt  }
0x5f: {  	_ =	shalt  }
0x60: {  	_ =	shalt  }
0x61: {  	_ =	shalt  }
0x62: {  	_ =	shalt  }
0x63: {  	_ =	shalt  }
0x64: {  	_ =	shalt  }
0x65: {  	_ =	shalt  }
0x66: {  	_ =	shalt  }
0x67: {  	_ =	shalt  }
0x68: {  	_ =	shalt  }
0x69: {  	_ =	shalt  }
0x6a: {  	_ =	shalt  }
0x6b: {  	_ =	shalt  }
0x6c: {  	_ =	shalt  }
0x6d: {  	_ =	shalt  }
0x6e: {  	_ =	shalt  }
0x6f: {  	_ =	shalt  }
0x70: {  	_ =	shalt  }
0x71: {  	_ =	shalt  }
0x72: {  	_ =	shalt  }
0x73: {  	_ =	shalt  }
0x74: {  	_ =	shalt  }
0x75: {  	_ =	shalt  }
0x76: {  	_ =	shalt  }
0x77: {  	_ =	shalt  }
0x78: {  	_ =	shalt  }
0x79: {  	_ =	shalt  }
0x7a: {  	_ =	shalt  }
0x7b: {  	_ =	shalt  }
0x7c: {  	_ =	shalt  }
0x7d: {  	_ =	shalt  }
0x7e: {  	_ =	shalt  }
0x7f: {  	_ =	shalt  }
0x80: {  	_ =	shalt  }
0x81: {  	_ =	shalt  }
0x82: {  	_ =	shalt  }
0x83: {  	_ =	shalt  }
0x84: {  	_ =	shalt  }
0x85: {  	_ =	shalt  }
0x86: {  	_ =	shalt  }
0x87: {  	_ =	shalt  }
.Lfunc_end0:
.L_simem_size_0:
called_computation.4_lowered:
.L_overlay_start_0:
0x88: {  	s2 =	sld [smem:$0x3FD9]  }
0x89: {  	s3 =	sld [smem:$0x3FFE];
	_ =	sdelay $0x1  }
0x8a: {  	s1 =	srdreg.scid  }
0x8b: {  	s0 =	sand.u32 $0x1, s1  }
0x8c: {  	s15 =	sshll.u32 s0, $0xA;
	s2 =	sadd.s32 s3, s2  }
0x8d: {  	s2 =	sadd.s32 s2, s15  }
0x8e: {  	[smem:$0x3FC0] =	sst s2  }
0x8f: {  	_ = 	snop  }
0x90: {  	s2 =	sld [smem:$0x3FD0];
	_ =	sdelay $0x2  }
0x91: {  	s16 =	simm.s32 $0xB;
	s4 =	simm.s32 $0x10  }
0x92: {  	[smem:s4], [sflag:s16] =	dma.local [hbm:s2], $0x1  }
0x93: {  	_ =	swait.eq [sflag:s16], $0x1  }
0x94: {  	[sflag:s16] =	ssyncset.done $0x0  }
0x95: {  	[sflag:s16] =	ssyncadd.s32 $0xFFFFFFFF  }
0x96: {  	s17 =	sld [smem:$0x12];
	(tm) =	ssettm $0x1  }
0x97: {  	s18 =	sld [smem:$0x3FFB];
	_ =	sdelay $0x3  }
0x98: {  	_ =	strace s18  }
0x99: {  	s2 =	sld [smem:$0x3FFC];
	_ =	sdelay $0x3  }
0x9a: {  	_ =	strace s2  }
0x9b: {  	s2 =	sld [smem:$0x3FFD];
	_ =	sdelay $0x3  }
0x9c: {  	_ =	strace s2  }
0x9d: {  	_ =	strace $0x8FFFFFFF  }
0x9e: {  	s19 =	sld [smem:$0x3FDB];
	_ =	sdelay $0x1  }
0x9f: {  	s20 =	simm.s32 $_scs_section_size  }
0xa0: {  	s5 =	simm.s32 $_size__tile_overlayer_lowered;
	s6 =	simm.s32 $_tile_overlayer_lowered  }
0xa1: {  	s7 =	simm.s32 $0x1BFF;
	s21 =	sshll.u32 s6, $0x1;
	s4 =	sadd.s32 s20, s19  }
0xa2: {  	s22 =	simm.s32 $0x0;
	s5 =	sshll.u32 s5, $0x1;
	s6 =	sadd.s32 s21, s4  }
0xa3: {  	[timem:s22], [sflag:s7] =	dma.local [hbm:s6], s5  }
0xa4: {  	_ =	swait.ge [sflag:s7], s5  }
0xa5: {  	s5 =	ssub.s32 $0x0, s5;
	[sflag:s7] =	ssyncset.done $0x0  }
0xa6: {  	[sflag:s7] =	ssyncadd.s32 s5;
	_ =	sdelay $0x1  }
0xa7: {  	s23 =	simm.s32 $0x1B8B  }
0xa8: {  	_ =	swait.ge [sflag:s23], $0x1  }
0xa9: {  	[sflag:s23] =	ssyncset.done $0x0  }
0xaa: {  	[sflag:s23] =	ssyncadd.s32 $0xFFFFFFFF  }
0xab: {  	s5 =	sld [smem:$0x0]  }
0xac: {  	s6 =	sand.u32 $0xFFFFFFFE, s1  }
0xad: {  	p0 =	sne.s32 s1, s6  }
0xae: {  	s6 =	sshll.u32 @p0 s6, $0xE  }
0xaf: {  	s6 =	sadd.s32 @p0 $0x11B8D, s6;
	s7 =	sshll.u32 @p0 s5, $0x11  }
0xb0: {  	s6 =	sor.u32 @p0 s7, s6  }
0xb1: {  	[sflag:s6] =	ssyncadd.remote.s32 @p0 $0x1;
	_ =	sdelay $0x1  }
0xb2: {  	s6 =	simm.s32 @p0 $0x1B8D  }
0xb3: {  	_ =	swait.eq @p0 [sflag:s6], $0x1  }
0xb4: {  	[sflag:s6] =	ssyncadd.s32 @p0 $0xFFFFFFFF  }
0xb5: {  	s7 =	sshll.u32 @!p0 s1, $0xE  }
0xb6: {  	s7 =	sor.u32 @!p0 $0x4000, s7;
	s6 =	simm.s32 @!p0 $0x1B8D  }
0xb7: {  	s5 =	sshll.u32 @!p0 s5, $0x11;
	s7 =	sadd.s32 @!p0 $0x11B8D, s7;
	_ =	swait.eq @!p0 [sflag:s6], $0x1  }
0xb8: {  	s5 =	sor.u32 @!p0 s5, s7;
	[sflag:s6] =	ssyncadd.s32 @!p0 $0xFFFFFFFF  }
0xb9: {  	s25 =	simm.s32 $0x1B8E;
	s24 =	sld [smem:$0x3FFE];
	[sflag:s5] =	ssyncadd.remote.s32 @!p0 $0x1  }
0xba: {  	s26 =	simm.s32 $execute0_lowered;
	[smem:$0x3FD2] =	sst s25  }
0xbb: {  	s6 =	sshll.u32 s26, $0x1;
	_ =	strace $0x80000049;
	[dreg:$0x1] =	wrdreg $0xFFFFFFFF  }
0xbc: {  	s28 =	simm.s32 $_size_execute0_lowered;
	s4 =	sadd.s32 s4, s6;
	[dreg:$0x0] =	wrdreg $0x0  }
0xbd: {  	s6 =	sshll.u32 s28, $0x1;
	[dreg:$0x2] =	wrdreg s4  }
0xbe: {  	[dreg:$0x3] =	wrdreg s6  }
0xbf: {  	[dreg:$0x4] =	wrdreg $0xC0  }
0xc0: {  	_ =	task [dreg:s22], $0x5FFFF  }
0xc1: {  	[dreg:$0x1] =	wrdreg $0xFFFFFFFF  }
0xc2: {  	[dreg:$0x0] =	wrdreg $0x60  }
0xc3: {  	[dreg:$0x2] =	wrdreg s24  }
0xc4: {  	[dreg:$0x3] =	wrdreg s17  }
0xc5: {  	[dreg:$0x4] =	wrdreg $0x9  }
0xc6: {  	_ =	task.clear_ibuf [dreg:s22], $0x5FFFF;
	_ =	strace $0x90000049  }
0xc7: {  	s29 =	simm.s32 $0x9;
	_ =	strace $0x8000004B  }
0xc8: {  	_ =	swait.ge [sflag:s29], $0x1  }
0xc9: {  	[sflag:s29] =	ssyncadd.s32 $0xFFFFFFFF  }
0xca: {  	_ =	strace $0x9000004B  }
0xcb: {  	_ =	sfence  }
0xcc: {  	s30 =	sld [smem:$0x0];
	_ =	sdelay $0x2  }
0xcd: {  	s31 =	sshll.u32 s1, $0xD;
	s1 =	sshrl.u32 s1, $0x2  }
0xce: {  	s4 =	sand.u32 $0x4000, s31;
	s1 =	sadd.s32 s1, s30  }
0xcf: {  	s0 =	sor.u32 s4, s0;
	s1 =	sshll.u32 s1, $0x11  }
0xd0: {  	s0 =	sor.u32 s1, s0  }
0xd1: {  	s0 =	sadd.s32 $0x8F2B, s0  }
0xd2: {  	[sflag:s0] =	ssyncadd.remote.s32 $0x1  }
0xd3: {  	_ =	sfence.sel $0xFFFF  }
0xd4: {  	[dreg:$0x0] =	wrdreg $0xFFFFFFFF;
	(pc) =	sbr.abs _section_cstart, $3  }
0xd5: {  	[dreg:$0x1] =	wrdreg $0xFFFFFFFF  }
0xd6: {  	_ =	task.clear_ibuf [dreg:s22], $0x2FFFF;
	_ =	strace $0x9FFFFFFF  }
0xd7: {  	(tm) =	ssettm $0x7FFFFFFF  }
tec
execute0_lowered:
.L_overlay_start_1:
0x0: {  	(tag) =	ssettag $0x1  }
0x1: {  	s1 =	srdreg.scid  }
0x2: {  	s0 =	stileid.u32;
	s9 =	rddreg [dreg:$0x0]  }
0x3: {  	s3 =	rddreg [dreg:$0x1];
	s6 =	sand.u32 $0x1, s1;
	s30 =	sshll.u32 s0, $0x1  }
0x4: {  	s2 =	simm.s32 $0x0;
	s1 =	rddreg [dreg:$0x2];
	s7 =	sor.u32 s6, s30  }
0x5: {  	s8 =	simm.s32 $0x1;
	[smem:$0x7FF] =	sst s2;
	s4 =	smul.u32 $0x2F, s7  }
0x6: {  	s5 =	sadd.s32 $0x19D200, s9;
	_ =	strace $0x8000004A;
	s11 =	ssub.s32 $0x2, s6  }
0x7: {  	s6 =	simm.s32 $0x178;
	s4 =	sadd.s32 s3, s4;
	s3 =	simm.s32 $0x2  }
0x8: {  	[tilespmem:s2], [sflag:$0x2] =	stream.linear.gather [hbm4b:s4+s2], $0x178, $0x38;
	[tilespmem:$0xBD80] =	vst v63  }
0x9: {  	s10 =	smul.u32 $0x1780, s7;
	s12 =	sshrl.u32 s11, $0x1;
	_ =	swait.ge [sflag:s3], $0x178  }
0xa: {  	s7 =	simm.s32 $0x180;
	s31 =	ssub.s32 s11, s12;
	[sflag:s3] =	ssyncset.done $0x0  }
0xb: {  	s9 =	sadd.s32 s10, s9;
	s10 =	smax.u32 s31, $0x1;
	[sflag:s3] =	ssyncadd.s32 $0xFFFFFE88  }
0xc: {  	[tilespmem:s7], [sflag:$0x1] =	stream.indirect.gather [hbm4b:s5+s6], $0x80, s2, s6, $0xb8;
	[tilespmem:$0xBD80] =	vst v63  }
0xd: {  	p0 =	sne.s32 s10, $0x1;
	_ =	swait.ge [sflag:s8], $0xBC00  }
.Ltmp0:
0xe: {  	[sflag:s8] =	ssyncset.done $0x0;
	(pc) =	sbr.rel @!p0 .LBB2_2-.Ltmp0, $4  }
0xf: {  	s9 =	sadd.s32 $0x145200, s9;
	[sflag:s8] =	ssyncadd.s32 $0xFFFF4400  }
0x10: {  	[hbm4b:s9+s2] =	stream.linear.scatter [tilespmem:s7], [sflag:$0x2], $0xBC00, $0x38;
	[tilespmem:$0xBD80] =	vst v63  }
0x11: {  	_ =	swait.ge [sflag:s3], $0xBC00  }
0x12: {  	s10 =	sadd.s32 $0xFFFFFFFF, s10;
	[sflag:s3] =	ssyncset.done $0x0  }
.LBB2_1:
0x13: {  	p0 =	sne.s32 s10, $0x1;
	s10 =	sadd.s32 $0xFFFFFFFF, s10;
	[sflag:s3] =	ssyncadd.s32 $0xFFFF4400  }
0x14: {  	[tilespmem:s2], [sflag:$0x2] =	stream.linear.gather [hbm4b:s4+s2], $0x178, $0x38;
	[tilespmem:$0xBD80] =	vst v63  }
0x15: {  	_ =	swait.ge [sflag:s3], $0x178  }
0x16: {  	[sflag:s3] =	ssyncset.done $0x0  }
0x17: {  	[sflag:s3] =	ssyncadd.s32 $0xFFFFFE88  }
0x18: {  	[tilespmem:s7], [sflag:$0x1] =	stream.indirect.gather [hbm4b:s5+s6], $0x80, s2, s6, $0xb8;
	[tilespmem:$0xBD80] =	vst v63  }
0x19: {  	_ =	swait.ge [sflag:s8], $0xBC00  }
.Ltmp1:
0x1a: {  	[sflag:s8] =	ssyncset.done $0x0;
	(pc) =	sbr.rel @p0 .LBB2_1-.Ltmp1, $4  }
0x1b: {  	[sflag:s8] =	ssyncadd.s32 $0xFFFF4400  }
0x1c: {  	[hbm4b:s9+s2] =	stream.linear.scatter [tilespmem:s7], [sflag:$0x2], $0xBC00, $0x38;
	[tilespmem:$0xBD80] =	vst v63  }
0x1d: {  	_ =	swait.ge [sflag:s3], $0xBC00  }
0x1e: {  	[sflag:s3] =	ssyncset.done $0x0  }
.LBB2_2:
0x1f: {  	[sflag:s3] =	ssyncadd.s32 $0xFFFF4400  }
0x20: {  	_ =	sfence.sel $0x180000  }
0x21: {  	[bflag:$0x0] =	sbarrier.arrive $0xFFFF  }
0x22: {  	p0 =	sne.s32 s0, $0x0;
	_ =	strace $0x9000004A  }
0x23: {  	s0 =	sadd.s32 @!p0 $0x100000, s1;
	[bflag:$0x2] =	sbarrier.arrive $0xFFFF  }
0x24: {  	[sflag:s0] =	ssyncadd.tile.s32 @!p0 $0x1;
	_ =	shalt  }
.Lfunc_end2:
_tile_overlayer_lowered:
.L_overlay_start_2:
0x25: {  	(tag) =	ssettag $0x2  }
0x26: {  	s0 =	rddreg [dreg:$0x0];
	s2 =	stileid.u32  }
0x27: {  	s1 =	rddreg [dreg:$0x1];
	p0 =	sne.s32 s2, $0x0  }
0x28: {  	s3 =	rddreg [dreg:$0x2];
	[bflag:$0x3] =	sbarrier.arrive $0xFFFF;
	s2 =	simm.s32 @!p0 $0x1C02  }
0x29: {  	[timem:s3], [sflag:s2] =	dma.local @!p0 [hbm:s0], s1  }
0x2a: {  	s0 =	simm.s32 @!p0 $0x2  }
0x2b: {  	_ =	swait.ge @!p0 [sflag:s0], s1  }
0x2c: {  	s1 =	ssub.s32 @!p0 $0x0, s1;
	[sflag:s0] =	ssyncset.done @!p0 $0x0  }
0x2d: {  	[sflag:s0] =	ssyncadd.s32 @!p0 s1  }
0x2e: {  	[bflag:$0x3] =	sbarrier.arrive $0xFFFF  }
0x2f: {  	_ =	shalt  }

// kernel: kernel.8.cloned.1.call-start
scs
__scs_entry_jumppad:
0x0: {  	(pc) =	sbr.rel $0x88, $3  }
0x1: {  	(tag) =	ssettag $0x0;
	lr =	simm.s32 $0x1  }
0x2: {  	[smem:$0x3F99] =	sst lr;
	_ =	strace $0xD0000000  }
0x3: {  	_ = 	snop  }
0x4: {  	_ = 	snop  }
0x5: {  	_ = 	snop  }
0x6: {  	_ = 	snop  }
0x7: {  	_ = 	snop  }
__scs_overlays_trampoline_lowered:
0x8: {  	[smem:$0x3FA8] =	sst s0  }
0x9: {  	[smem:$0x3FA9] =	sst s1  }
0xa: {  	[smem:$0x3FAA] =	sst s2  }
0xb: {  	[smem:$0x3FAB] =	sst s3  }
0xc: {  	[smem:$0x3FAC] =	sst s4  }
0xd: {  	[smem:$0x3FAD] =	sst s5  }
0xe: {  	[smem:$0x3FAE] =	sst s6  }
0xf: {  	[smem:$0x3FAF] =	sst s7  }
0x10: {  	[smem:$0x3FB0] =	sst s8  }
0x11: {  	[smem:$0x3FB1] =	sst s9;
	s0 =	simm.s32 @!p0 $0x0  }
0x12: {  	s1 =	sld [smem:$0x3F97];
	s0 =	simm.s32 @p0 $0x1  }
0x13: {  	[smem:$0x3FB2] =	sst s0;
	s0 =	simm.s32 @!p1 $0x0  }
0x14: {  	s2 =	sld [smem:$0x3F96];
	s0 =	simm.s32 @p1 $0x1  }
0x15: {  	[smem:$0x3FB3] =	sst s0;
	s0 =	simm.s32 @!p2 $0x0  }
0x16: {  	s3 =	sld [smem:$0x3FDB];
	s0 =	simm.s32 @p2 $0x1  }
0x17: {  	s4 =	simm.s32 $0x1BF5;
	[smem:$0x3FB5] =	sst s0  }
0x18: {  	s0 =	sld [smem:$0x3F98];
	_ =	swait.ge [sflag:s4], $0x0  }
0x19: {  	s7 =	sld [smem:$0x3F99]  }
0x1a: {  	s8 =	sadd.s32 $0xFFFFE003, lr  }
0x1b: {  	s9 =	sadd.s32 $0xFFFFFEF7, lr;
	s5 =	simm.s32 $0xFFFFFFFF;
	p2 =	slt.u32 s8, $0xFFFFF086  }
0x1c: {  	p1 =	slt.u32 s9, $0xF7A;
	s5 =	simm.s32 @!p2 $0x0  }
0x1d: {  	s5 =	simm.s32 @p1 $0x1;
	p0 =	seq.s32 s7, s2  }
0x1e: {  	s7 =	smul.u32 @!p0 $0xF7A, s2;
	p2 =	seq.s32 @!p0 s5, $0x0  }
0x1f: {  	s9 =	smul.u32 $0xF7A, s1;
	s8 =	simm.s32 @!p0 $0x1BF5;
	p2 =	por !p2, p0  }
0x20: {  	[sflag:s8] =	ssyncset.s32 @!p0 $0xFFFFF086;
	s6 =	sadd.s32 @!p0 s3, s7;
	s7 =	simm.s32 @!p0 $0x108  }
0x21: {  	s3 =	sadd.s32 s3, s9;
	s6 =	sadd.s32 @!p0 $0x88, s6;
	s7 =	simm.s32 @p2 $0x1082  }
0x22: {  	[simem:s7], [sflag:s8] =	dma.local @!p0 [hbm:s6], $0xF7A  }
0x23: {  	s9 =	sor.u32 $0xD0000000, s2;
	s6 =	simm.s32 $0x108;
	_ =	swait.ge @!p0 [sflag:s8], $0x0  }
0x24: {  	s3 =	sadd.s32 $0x88, s3;
	s6 =	simm.s32 @!p1 $0x1082;
	[sflag:s4] =	ssyncset.s32 $0xFFFFF086  }
0x25: {  	[simem:s6], [sflag:s4] =	dma.local [hbm:s3], $0xF7A  }
0x26: {  	[smem:$0x3F99] =	sst s1;
	(tag) =	ssettag s2;
	_ =	strace s9  }
0x27: {  	s1 =	sld [smem:$0x3FA9]  }
0x28: {  	s2 =	sld [smem:$0x3FAA]  }
0x29: {  	s4 =	sld [smem:$0x3FAC]  }
0x2a: {  	p0 =	seq.s32 s5, $0x0;
	s5 =	sld [smem:$0x3FAD]  }
0x2b: {  	s6 =	sld [smem:$0x3FAE]  }
0x2c: {  	s7 =	sld [smem:$0x3FAF]  }
0x2d: {  	s3 =	simm.s32 $0x108;
	s8 =	sld [smem:$0x3FB0]  }
0x2e: {  	s3 =	simm.s32 @!p0 $0x1082;
	s9 =	sld [smem:$0x3FB1]  }
0x2f: {  	lr =	sadd.s32 s0, s3;
	s0 =	sld [smem:$0x3FA8]  }
0x30: {  	s3 =	sld [smem:$0x3FAB]  }
0x31: {  	[smem:$0x3FB4] =	sst s10  }
0x32: {  	s10 =	sld [smem:$0x3FB2];
	_ =	sdelay $0x3  }
0x33: {  	p0 =	seq.s32 s10, $0x1;
	s10 =	sld [smem:$0x3FB4];
	_ =	sdelay $0x3  }
0x34: {  	[smem:$0x3FB4] =	sst s10  }
0x35: {  	s10 =	sld [smem:$0x3FB3];
	_ =	sdelay $0x3  }
0x36: {  	p1 =	seq.s32 s10, $0x1;
	s10 =	sld [smem:$0x3FB4];
	_ =	sdelay $0x3  }
0x37: {  	[smem:$0x3FB4] =	sst s10  }
0x38: {  	s10 =	sld [smem:$0x3FB5]  }
0x39: {  	_ = 	snop;
	(pc) =	sbr.ind lr, $3  }
0x3a: {  	_ = 	snop  }
0x3b: {  	_ = 	snop  }
0x3c: {  	p2 =	seq.s32 s10, $0x1;
	s10 =	sld [smem:$0x3FB4]  }
0x3d: {  	_ =	shalt  }
0x3e: {  	_ =	shalt  }
0x3f: {  	_ =	shalt  }
0x40: {  	_ =	shalt  }
0x41: {  	_ =	shalt  }
0x42: {  	_ =	shalt  }
0x43: {  	_ =	shalt  }
0x44: {  	_ =	shalt  }
0x45: {  	_ =	shalt  }
0x46: {  	_ =	shalt  }
0x47: {  	_ =	shalt  }
0x48: {  	_ =	shalt  }
0x49: {  	_ =	shalt  }
0x4a: {  	_ =	shalt  }
0x4b: {  	_ =	shalt  }
0x4c: {  	_ =	shalt  }
0x4d: {  	_ =	shalt  }
0x4e: {  	_ =	shalt  }
0x4f: {  	_ =	shalt  }
0x50: {  	_ =	shalt  }
0x51: {  	_ =	shalt  }
0x52: {  	_ =	shalt  }
0x53: {  	_ =	shalt  }
0x54: {  	_ =	shalt  }
0x55: {  	_ =	shalt  }
0x56: {  	_ =	shalt  }
0x57: {  	_ =	shalt  }
0x58: {  	_ =	shalt  }
0x59: {  	_ =	shalt  }
0x5a: {  	_ =	shalt  }
0x5b: {  	_ =	shalt  }
0x5c: {  	_ =	shalt  }
0x5d: {  	_ =	shalt  }
0x5e: {  	_ =	shalt  }
0x5f: {  	_ =	shalt  }
0x60: {  	_ =	shalt  }
0x61: {  	_ =	shalt  }
0x62: {  	_ =	shalt  }
0x63: {  	_ =	shalt  }
0x64: {  	_ =	shalt  }
0x65: {  	_ =	shalt  }
0x66: {  	_ =	shalt  }
0x67: {  	_ =	shalt  }
0x68: {  	_ =	shalt  }
0x69: {  	_ =	shalt  }
0x6a: {  	_ =	shalt  }
0x6b: {  	_ =	shalt  }
0x6c: {  	_ =	shalt  }
0x6d: {  	_ =	shalt  }
0x6e: {  	_ =	shalt  }
0x6f: {  	_ =	shalt  }
0x70: {  	_ =	shalt  }
0x71: {  	_ =	shalt  }
0x72: {  	_ =	shalt  }
0x73: {  	_ =	shalt  }
0x74: {  	_ =	shalt  }
0x75: {  	_ =	shalt  }
0x76: {  	_ =	shalt  }
0x77: {  	_ =	shalt  }
0x78: {  	_ =	shalt  }
0x79: {  	_ =	shalt  }
0x7a: {  	_ =	shalt  }
0x7b: {  	_ =	shalt  }
0x7c: {  	_ =	shalt  }
0x7d: {  	_ =	shalt  }
0x7e: {  	_ =	shalt  }
0x7f: {  	_ =	shalt  }
0x80: {  	_ =	shalt  }
0x81: {  	_ =	shalt  }
0x82: {  	_ =	shalt  }
0x83: {  	_ =	shalt  }
0x84: {  	_ =	shalt  }
0x85: {  	_ =	shalt  }
0x86: {  	_ =	shalt  }
0x87: {  	_ =	shalt  }
.Lfunc_end0:
.L_simem_size_0:
called_computation.5_lowered:
.L_overlay_start_0:
0x88: {  	s2 =	sld [smem:$0x3FD9]  }
0x89: {  	s3 =	sld [smem:$0x3FFE];
	_ =	sdelay $0x1  }
0x8a: {  	s1 =	srdreg.scid  }
0x8b: {  	s0 =	sand.u32 $0x1, s1  }
0x8c: {  	s14 =	sshll.u32 s0, $0xA;
	s2 =	sadd.s32 s3, s2  }
0x8d: {  	s2 =	sadd.s32 s2, s14  }
0x8e: {  	[smem:$0x3FC0] =	sst s2  }
0x8f: {  	_ = 	snop  }
0x90: {  	s2 =	sld [smem:$0x3FD0];
	_ =	sdelay $0x2  }
0x91: {  	s15 =	simm.s32 $0xB;
	s4 =	simm.s32 $0x10  }
0x92: {  	[smem:s4], [sflag:s15] =	dma.local [hbm:s2], $0x1  }
0x93: {  	_ =	swait.eq [sflag:s15], $0x1  }
0x94: {  	[sflag:s15] =	ssyncset.done $0x0  }
0x95: {  	[sflag:s15] =	ssyncadd.s32 $0xFFFFFFFF  }
0x96: {  	s16 =	sld [smem:$0x14];
	(tm) =	ssettm $0x1  }
0x97: {  	s17 =	sld [smem:$0x3FFB];
	_ =	sdelay $0x3  }
0x98: {  	_ =	strace s17  }
0x99: {  	s3 =	sld [smem:$0x3FFC];
	_ =	sdelay $0x3  }
0x9a: {  	_ =	strace s3  }
0x9b: {  	s3 =	sld [smem:$0x3FFD];
	_ =	sdelay $0x3  }
0x9c: {  	_ =	strace s3  }
0x9d: {  	_ =	strace $0x8FFFFFFF  }
0x9e: {  	s18 =	sld [smem:$0x3FDB];
	_ =	sdelay $0x1  }
0x9f: {  	s19 =	simm.s32 $_scs_section_size  }
0xa0: {  	s5 =	simm.s32 $_size__tile_overlayer_lowered;
	s6 =	simm.s32 $_tile_overlayer_lowered  }
0xa1: {  	s22 =	simm.s32 $0x1BFF;
	s21 =	sshll.u32 s6, $0x1;
	s3 =	sadd.s32 s19, s18  }
0xa2: {  	s7 =	simm.s32 $0x0;
	s20 =	sshll.u32 s5, $0x1;
	s5 =	sadd.s32 s21, s3  }
0xa3: {  	[timem:s7], [sflag:s22] =	dma.local [hbm:s5], s20  }
0xa4: {  	_ =	swait.ge [sflag:s22], s20  }
0xa5: {  	s4 =	ssub.s32 $0x0, s20;
	[sflag:s22] =	ssyncset.done $0x0  }
0xa6: {  	[sflag:s22] =	ssyncadd.s32 s4;
	_ =	sdelay $0x1  }
0xa7: {  	s23 =	simm.s32 $0x1B8B  }
0xa8: {  	_ =	swait.ge [sflag:s23], $0x1  }
0xa9: {  	[sflag:s23] =	ssyncset.done $0x0  }
0xaa: {  	s25 =	simm.s32 $0x1B8E;
	s24 =	sld [smem:$0x3FFE];
	[sflag:s23] =	ssyncadd.s32 $0xFFFFFFFF  }
0xab: {  	s26 =	simm.s32 $execute0_lowered;
	[smem:$0x3FD2] =	sst s25  }
0xac: {  	s5 =	sshll.u32 s26, $0x1;
	_ =	strace $0x80000046;
	[dreg:$0x1] =	wrdreg $0xFFFFFFFF  }
0xad: {  	s28 =	simm.s32 $_size_execute0_lowered;
	s3 =	sadd.s32 s3, s5;
	[dreg:$0x0] =	wrdreg $0x0  }
0xae: {  	s5 =	sshll.u32 s28, $0x1;
	[dreg:$0x2] =	wrdreg s3  }
0xaf: {  	[dreg:$0x3] =	wrdreg s5  }
0xb0: {  	[dreg:$0x4] =	wrdreg $0xC0  }
0xb1: {  	_ =	task [dreg:s7], $0x5FFFF  }
0xb2: {  	[dreg:$0x1] =	wrdreg $0xFFFFFFFF  }
0xb3: {  	[dreg:$0x0] =	wrdreg $0x60  }
0xb4: {  	[dreg:$0x2] =	wrdreg s24  }
0xb5: {  	[dreg:$0x3] =	wrdreg s16  }
0xb6: {  	[dreg:$0x4] =	wrdreg $0xA  }
0xb7: {  	_ =	task.clear_ibuf [dreg:s7], $0x5FFFF;
	_ =	strace $0x90000046  }
0xb8: {  	s29 =	simm.s32 $0xA;
	_ =	strace $0x80000048  }
0xb9: {  	_ =	swait.ge [sflag:s29], $0x1  }
0xba: {  	[sflag:s29] =	ssyncadd.s32 $0xFFFFFFFF  }
0xbb: {  	_ =	strace $0x90000048  }
0xbc: {  	_ =	sfence  }
0xbd: {  	s30 =	sld [smem:$0x0];
	_ =	sdelay $0x2  }
0xbe: {  	s31 =	sshll.u32 s1, $0xD;
	s1 =	sshrl.u32 s1, $0x2  }
0xbf: {  	s3 =	sand.u32 $0x4000, s31;
	s1 =	sadd.s32 s1, s30  }
0xc0: {  	s0 =	sor.u32 s3, s0;
	s1 =	sshll.u32 s1, $0x11  }
0xc1: {  	s0 =	sor.u32 s1, s0  }
0xc2: {  	s0 =	sadd.s32 $0x8F2B, s0  }
0xc3: {  	[sflag:s0] =	ssyncadd.remote.s32 $0x1  }
0xc4: {  	_ =	sfence.sel $0xFFFF  }
0xc5: {  	[dreg:$0x0] =	wrdreg $0xFFFFFFFF;
	(pc) =	sbr.abs _section_cstart, $3  }
0xc6: {  	[dreg:$0x1] =	wrdreg $0xFFFFFFFF  }
0xc7: {  	_ =	task.clear_ibuf [dreg:s7], $0x2FFFF;
	_ =	strace $0x9FFFFFFF  }
0xc8: {  	(tm) =	ssettm $0x7FFFFFFF  }
0xc9: {  	_ =	shalt  }
tec
execute0_lowered:
.L_overlay_start_1:
0x0: {  	(tag) =	ssettag $0x1  }
0x1: {  	s1 =	srdreg.scid  }
0x2: {  	s0 =	stileid.u32;
	s9 =	rddreg [dreg:$0x0]  }
0x3: {  	s3 =	rddreg [dreg:$0x1];
	s6 =	sand.u32 $0x1, s1;
	s30 =	sshll.u32 s0, $0x1  }
0x4: {  	s2 =	simm.s32 $0x0;
	s1 =	rddreg [dreg:$0x2];
	s7 =	sor.u32 s6, s30  }
0x5: {  	s8 =	simm.s32 $0x1;
	[smem:$0x7FF] =	sst s2;
	s4 =	smul.u32 $0x2F, s7  }
0x6: {  	s5 =	sadd.s32 $0xBE200, s9;
	_ =	strace $0x80000047;
	s11 =	ssub.s32 $0x2, s6  }
0x7: {  	s6 =	simm.s32 $0x178;
	s4 =	sadd.s32 s3, s4;
	s3 =	simm.s32 $0x2  }
0x8: {  	[tilespmem:s2], [sflag:$0x2] =	stream.linear.gather [hbm4b:s4+s2], $0x178, $0x38;
	[tilespmem:$0xBD80] =	vst v63  }
0x9: {  	s10 =	smul.u32 $0x1780, s7;
	s12 =	sshrl.u32 s11, $0x1;
	_ =	swait.ge [sflag:s3], $0x178  }
0xa: {  	s7 =	simm.s32 $0x180;
	s31 =	ssub.s32 s11, s12;
	[sflag:s3] =	ssyncset.done $0x0  }
0xb: {  	s9 =	sadd.s32 s10, s9;
	s10 =	smax.u32 s31, $0x1;
	[sflag:s3] =	ssyncadd.s32 $0xFFFFFE88  }
0xc: {  	[tilespmem:s7], [sflag:$0x1] =	stream.indirect.gather [hbm4b:s5+s6], $0x80, s2, s6, $0xb8;
	[tilespmem:$0xBD80] =	vst v63  }
0xd: {  	p0 =	sne.s32 s10, $0x1;
	_ =	swait.ge [sflag:s8], $0xBC00  }
.Ltmp0:
0xe: {  	[sflag:s8] =	ssyncset.done $0x0;
	(pc) =	sbr.rel @!p0 .LBB2_2-.Ltmp0, $4  }
0xf: {  	s9 =	sadd.s32 $0x116200, s9;
	[sflag:s8] =	ssyncadd.s32 $0xFFFF4400  }
0x10: {  	[hbm4b:s9+s2] =	stream.linear.scatter [tilespmem:s7], [sflag:$0x2], $0xBC00, $0x38;
	[tilespmem:$0xBD80] =	vst v63  }
0x11: {  	_ =	swait.ge [sflag:s3], $0xBC00  }
0x12: {  	s10 =	sadd.s32 $0xFFFFFFFF, s10;
	[sflag:s3] =	ssyncset.done $0x0  }
.LBB2_1:
0x13: {  	p0 =	sne.s32 s10, $0x1;
	s10 =	sadd.s32 $0xFFFFFFFF, s10;
	[sflag:s3] =	ssyncadd.s32 $0xFFFF4400  }
0x14: {  	[tilespmem:s2], [sflag:$0x2] =	stream.linear.gather [hbm4b:s4+s2], $0x178, $0x38;
	[tilespmem:$0xBD80] =	vst v63  }
0x15: {  	_ =	swait.ge [sflag:s3], $0x178  }
0x16: {  	[sflag:s3] =	ssyncset.done $0x0  }
0x17: {  	[sflag:s3] =	ssyncadd.s32 $0xFFFFFE88  }
0x18: {  	[tilespmem:s7], [sflag:$0x1] =	stream.indirect.gather [hbm4b:s5+s6], $0x80, s2, s6, $0xb8;
	[tilespmem:$0xBD80] =	vst v63  }
0x19: {  	_ =	swait.ge [sflag:s8], $0xBC00  }
.Ltmp1:
0x1a: {  	[sflag:s8] =	ssyncset.done $0x0;
	(pc) =	sbr.rel @p0 .LBB2_1-.Ltmp1, $4  }
0x1b: {  	[sflag:s8] =	ssyncadd.s32 $0xFFFF4400  }
0x1c: {  	[hbm4b:s9+s2] =	stream.linear.scatter [tilespmem:s7], [sflag:$0x2], $0xBC00, $0x38;
	[tilespmem:$0xBD80] =	vst v63  }
0x1d: {  	_ =	swait.ge [sflag:s3], $0xBC00  }
0x1e: {  	[sflag:s3] =	ssyncset.done $0x0  }
.LBB2_2:
0x1f: {  	[sflag:s3] =	ssyncadd.s32 $0xFFFF4400  }
0x20: {  	_ =	sfence.sel $0x180000  }
0x21: {  	[bflag:$0x0] =	sbarrier.arrive $0xFFFF  }
0x22: {  	p0 =	sne.s32 s0, $0x0;
	_ =	strace $0x90000047  }
0x23: {  	s0 =	sadd.s32 @!p0 $0x100000, s1;
	[bflag:$0x2] =	sbarrier.arrive $0xFFFF  }
0x24: {  	[sflag:s0] =	ssyncadd.tile.s32 @!p0 $0x1;
	_ =	shalt  }
.Lfunc_end2:
_tile_overlayer_lowered:
.L_overlay_start_2:
0x25: {  	(tag) =	ssettag $0x2  }
0x26: {  	s0 =	rddreg [dreg:$0x0];
	s2 =	stileid.u32  }
0x27: {  	s1 =	rddreg [dreg:$0x1];
	p0 =	sne.s32 s2, $0x0  }
0x28: {  	s3 =	rddreg [dreg:$0x2];
	[bflag:$0x3] =	sbarrier.arrive $0xFFFF;
	s2 =	simm.s32 @!p0 $0x1C02  }
0x29: {  	[timem:s3], [sflag:s2] =	dma.local @!p0 [hbm:s0], s1  }
0x2a: {  	s0 =	simm.s32 @!p0 $0x2  }
0x2b: {  	_ =	swait.ge @!p0 [sflag:s0], s1  }
0x2c: {  	s1 =	ssub.s32 @!p0 $0x0, s1;
	[sflag:s0] =	ssyncset.done @!p0 $0x0  }
0x2d: {  	[sflag:s0] =	ssyncadd.s32 @!p0 s1  }
0x2e: {  	[bflag:$0x3] =	sbarrier.arrive $0xFFFF  }
0x2f: {  	_ =	shalt  }

// kernel: scatter_offload_async_start.1
scs
__scs_entry_jumppad:
0x0: {  	(pc) =	sbr.rel $0x88, $3  }
0x1: {  	(tag) =	ssettag $0x0;
	lr =	simm.s32 $0x1  }
0x2: {  	[smem:$0x3F99] =	sst lr;
	_ =	strace $0xD0000000  }
0x3: {  	_ = 	snop  }
0x4: {  	_ = 	snop  }
0x5: {  	_ = 	snop  }
0x6: {  	_ = 	snop  }
0x7: {  	_ = 	snop  }
__scs_overlays_trampoline_lowered:
0x8: {  	[smem:$0x3FA8] =	sst s0  }
0x9: {  	[smem:$0x3FA9] =	sst s1  }
0xa: {  	[smem:$0x3FAA] =	sst s2  }
0xb: {  	[smem:$0x3FAB] =	sst s3  }
0xc: {  	[smem:$0x3FAC] =	sst s4  }
0xd: {  	[smem:$0x3FAD] =	sst s5  }
0xe: {  	[smem:$0x3FAE] =	sst s6  }
0xf: {  	[smem:$0x3FAF] =	sst s7  }
0x10: {  	[smem:$0x3FB0] =	sst s8  }
0x11: {  	[smem:$0x3FB1] =	sst s9;
	s0 =	simm.s32 @!p0 $0x0  }
0x12: {  	s1 =	sld [smem:$0x3F97];
	s0 =	simm.s32 @p0 $0x1  }
0x13: {  	[smem:$0x3FB2] =	sst s0;
	s0 =	simm.s32 @!p1 $0x0  }
0x14: {  	s2 =	sld [smem:$0x3F96];
	s0 =	simm.s32 @p1 $0x1  }
0x15: {  	[smem:$0x3FB3] =	sst s0;
	s0 =	simm.s32 @!p2 $0x0  }
0x16: {  	s3 =	sld [smem:$0x3FDB];
	s0 =	simm.s32 @p2 $0x1  }
0x17: {  	s4 =	simm.s32 $0x1BF5;
	[smem:$0x3FB5] =	sst s0  }
0x18: {  	s0 =	sld [smem:$0x3F98];
	_ =	swait.ge [sflag:s4], $0x0  }
0x19: {  	s7 =	sld [smem:$0x3F99]  }
0x1a: {  	s8 =	sadd.s32 $0xFFFFE003, lr  }
0x1b: {  	s9 =	sadd.s32 $0xFFFFFEF7, lr;
	s5 =	simm.s32 $0xFFFFFFFF;
	p2 =	slt.u32 s8, $0xFFFFF086  }
0x1c: {  	p1 =	slt.u32 s9, $0xF7A;
	s5 =	simm.s32 @!p2 $0x0  }
0x1d: {  	s5 =	simm.s32 @p1 $0x1;
	p0 =	seq.s32 s7, s2  }
0x1e: {  	s7 =	smul.u32 @!p0 $0xF7A, s2;
	p2 =	seq.s32 @!p0 s5, $0x0  }
0x1f: {  	s9 =	smul.u32 $0xF7A, s1;
	s8 =	simm.s32 @!p0 $0x1BF5;
	p2 =	por !p2, p0  }
0x20: {  	[sflag:s8] =	ssyncset.s32 @!p0 $0xFFFFF086;
	s6 =	sadd.s32 @!p0 s3, s7;
	s7 =	simm.s32 @!p0 $0x108  }
0x21: {  	s3 =	sadd.s32 s3, s9;
	s6 =	sadd.s32 @!p0 $0x88, s6;
	s7 =	simm.s32 @p2 $0x1082  }
0x22: {  	[simem:s7], [sflag:s8] =	dma.local @!p0 [hbm:s6], $0xF7A  }
0x23: {  	s9 =	sor.u32 $0xD0000000, s2;
	s6 =	simm.s32 $0x108;
	_ =	swait.ge @!p0 [sflag:s8], $0x0  }
0x24: {  	s3 =	sadd.s32 $0x88, s3;
	s6 =	simm.s32 @!p1 $0x1082;
	[sflag:s4] =	ssyncset.s32 $0xFFFFF086  }
0x25: {  	[simem:s6], [sflag:s4] =	dma.local [hbm:s3], $0xF7A  }
0x26: {  	[smem:$0x3F99] =	sst s1;
	(tag) =	ssettag s2;
	_ =	strace s9  }
0x27: {  	s1 =	sld [smem:$0x3FA9]  }
0x28: {  	s2 =	sld [smem:$0x3FAA]  }
0x29: {  	s4 =	sld [smem:$0x3FAC]  }
0x2a: {  	p0 =	seq.s32 s5, $0x0;
	s5 =	sld [smem:$0x3FAD]  }
0x2b: {  	s6 =	sld [smem:$0x3FAE]  }
0x2c: {  	s7 =	sld [smem:$0x3FAF]  }
0x2d: {  	s3 =	simm.s32 $0x108;
	s8 =	sld [smem:$0x3FB0]  }
0x2e: {  	s3 =	simm.s32 @!p0 $0x1082;
	s9 =	sld [smem:$0x3FB1]  }
0x2f: {  	lr =	sadd.s32 s0, s3;
	s0 =	sld [smem:$0x3FA8]  }
0x30: {  	s3 =	sld [smem:$0x3FAB]  }
0x31: {  	[smem:$0x3FB4] =	sst s10  }
0x32: {  	s10 =	sld [smem:$0x3FB2];
	_ =	sdelay $0x3  }
0x33: {  	p0 =	seq.s32 s10, $0x1;
	s10 =	sld [smem:$0x3FB4];
	_ =	sdelay $0x3  }
0x34: {  	[smem:$0x3FB4] =	sst s10  }
0x35: {  	s10 =	sld [smem:$0x3FB3];
	_ =	sdelay $0x3  }
0x36: {  	p1 =	seq.s32 s10, $0x1;
	s10 =	sld [smem:$0x3FB4];
	_ =	sdelay $0x3  }
0x37: {  	[smem:$0x3FB4] =	sst s10  }
0x38: {  	s10 =	sld [smem:$0x3FB5]  }
0x39: {  	_ = 	snop;
	(pc) =	sbr.ind lr, $3  }
0x3a: {  	_ = 	snop  }
0x3b: {  	_ = 	snop  }
0x3c: {  	p2 =	seq.s32 s10, $0x1;
	s10 =	sld [smem:$0x3FB4]  }
0x3d: {  	_ =	shalt  }
0x3e: {  	_ =	shalt  }
0x3f: {  	_ =	shalt  }
0x40: {  	_ =	shalt  }
0x41: {  	_ =	shalt  }
0x42: {  	_ =	shalt  }
0x43: {  	_ =	shalt  }
0x44: {  	_ =	shalt  }
0x45: {  	_ =	shalt  }
0x46: {  	_ =	shalt  }
0x47: {  	_ =	shalt  }
0x48: {  	_ =	shalt  }
0x49: {  	_ =	shalt  }
0x4a: {  	_ =	shalt  }
0x4b: {  	_ =	shalt  }
0x4c: {  	_ =	shalt  }
0x4d: {  	_ =	shalt  }
0x4e: {  	_ =	shalt  }
0x4f: {  	_ =	shalt  }
0x50: {  	_ =	shalt  }
0x51: {  	_ =	shalt  }
0x52: {  	_ =	shalt  }
0x53: {  	_ =	shalt  }
0x54: {  	_ =	shalt  }
0x55: {  	_ =	shalt  }
0x56: {  	_ =	shalt  }
0x57: {  	_ =	shalt  }
0x58: {  	_ =	shalt  }
0x59: {  	_ =	shalt  }
0x5a: {  	_ =	shalt  }
0x5b: {  	_ =	shalt  }
0x5c: {  	_ =	shalt  }
0x5d: {  	_ =	shalt  }
0x5e: {  	_ =	shalt  }
0x5f: {  	_ =	shalt  }
0x60: {  	_ =	shalt  }
0x61: {  	_ =	shalt  }
0x62: {  	_ =	shalt  }
0x63: {  	_ =	shalt  }
0x64: {  	_ =	shalt  }
0x65: {  	_ =	shalt  }
0x66: {  	_ =	shalt  }
0x67: {  	_ =	shalt  }
0x68: {  	_ =	shalt  }
0x69: {  	_ =	shalt  }
0x6a: {  	_ =	shalt  }
0x6b: {  	_ =	shalt  }
0x6c: {  	_ =	shalt  }
0x6d: {  	_ =	shalt  }
0x6e: {  	_ =	shalt  }
0x6f: {  	_ =	shalt  }
0x70: {  	_ =	shalt  }
0x71: {  	_ =	shalt  }
0x72: {  	_ =	shalt  }
0x73: {  	_ =	shalt  }
0x74: {  	_ =	shalt  }
0x75: {  	_ =	shalt  }
0x76: {  	_ =	shalt  }
0x77: {  	_ =	shalt  }
0x78: {  	_ =	shalt  }
0x79: {  	_ =	shalt  }
0x7a: {  	_ =	shalt  }
0x7b: {  	_ =	shalt  }
0x7c: {  	_ =	shalt  }
0x7d: {  	_ =	shalt  }
0x7e: {  	_ =	shalt  }
0x7f: {  	_ =	shalt  }
0x80: {  	_ =	shalt  }
0x81: {  	_ =	shalt  }
0x82: {  	_ =	shalt  }
0x83: {  	_ =	shalt  }
0x84: {  	_ =	shalt  }
0x85: {  	_ =	shalt  }
0x86: {  	_ =	shalt  }
0x87: {  	_ =	shalt  }
.Lfunc_end0:
.L_simem_size_0:
called_computation.1_lowered:
.L_overlay_start_0:
0x88: {  	s0 =	sld [smem:$0x3FD9]  }
0x89: {  	s1 =	sld [smem:$0x3FFE];
	_ =	sdelay $0x3  }
0x8a: {  	s0 =	sadd.s32 s1, s0  }
0x8b: {  	[smem:$0x3FC0] =	sst s0  }
0x8c: {  	_ = 	snop  }
0x8d: {  	s0 =	sld [smem:$0x3FD0];
	_ =	sdelay $0x2  }
0x8e: {  	s3 =	simm.s32 $0xB;
	s13 =	simm.s32 $0x10  }
0x8f: {  	[smem:s13], [sflag:s3] =	dma.local [hbm:s0], $0x1  }
0x90: {  	_ =	swait.eq [sflag:s3], $0x1  }
0x91: {  	s14 =	sld [smem:$0x10]  }
0x92: {  	s2 =	sld [smem:$0x12];
	[sflag:s3] =	ssyncset.done $0x0  }
0x93: {  	s4 =	sld [smem:$0x13];
	[sflag:s3] =	ssyncadd.s32 $0xFFFFFFFF  }
0x94: {  	s15 =	sld [smem:$0x14];
	(tm) =	ssettm $0x1  }
0x95: {  	s16 =	sld [smem:$0x3FFB];
	_ =	sdelay $0x3  }
0x96: {  	_ =	strace s16  }
0x97: {  	s0 =	sld [smem:$0x3FFC];
	_ =	sdelay $0x3  }
0x98: {  	_ =	strace s0  }
0x99: {  	s0 =	sld [smem:$0x3FFD];
	_ =	sdelay $0x3  }
0x9a: {  	_ =	strace s0  }
0x9b: {  	_ =	strace $0x8FFFFFFF  }
0x9c: {  	s17 =	sld [smem:$0x3FDB];
	_ =	sdelay $0x1  }
0x9d: {  	s5 =	simm.s32 $_scs_section_size  }
0x9e: {  	s6 =	simm.s32 $_size__tile_overlayer_lowered;
	s7 =	simm.s32 $_tile_overlayer_lowered  }
0x9f: {  	s8 =	simm.s32 $0x1BFF;
	s18 =	sshll.u32 s7, $0x1;
	s5 =	sadd.s32 s5, s17  }
0xa0: {  	s19 =	simm.s32 $0x0;
	s6 =	sshll.u32 s6, $0x1;
	s7 =	sadd.s32 s18, s5  }
0xa1: {  	[timem:s19], [sflag:s8] =	dma.local [hbm:s7], s6  }
0xa2: {  	_ =	swait.ge [sflag:s8], s6  }
0xa3: {  	s6 =	ssub.s32 $0x0, s6;
	[sflag:s8] =	ssyncset.done $0x0  }
0xa4: {  	[sflag:s8] =	ssyncadd.s32 s6;
	_ =	sdelay $0x1  }
0xa5: {  	s20 =	simm.s32 $0x1B8B  }
0xa6: {  	_ =	swait.ge [sflag:s20], $0x1  }
0xa7: {  	[sflag:s20] =	ssyncset.done $0x0  }
0xa8: {  	s21 =	simm.s32 $0x1B8E;
	[sflag:s20] =	ssyncadd.s32 $0xFFFFFFFF  }
0xa9: {  	s22 =	simm.s32 $execute0_lowered;
	[smem:$0x3FD2] =	sst s21  }
0xaa: {  	s6 =	sshll.u32 s22, $0x1;
	_ =	strace $0x8000004C;
	[dreg:$0x1] =	wrdreg $0xFFFFFFFF  }
0xab: {  	s23 =	simm.s32 $_size_execute0_lowered;
	s6 =	sadd.s32 s5, s6;
	[dreg:$0x0] =	wrdreg $0x0  }
0xac: {  	s7 =	sshll.u32 s23, $0x1;
	[dreg:$0x2] =	wrdreg s6  }
0xad: {  	[dreg:$0x3] =	wrdreg s7  }
0xae: {  	[dreg:$0x4] =	wrdreg $0xC0  }
0xaf: {  	s24 =	simm.s32 $execute1_lowered;
	_ =	task [dreg:s19], $0x5FFFF  }
0xb0: {  	s6 =	sshll.u32 s24, $0x1;
	[dreg:$0x1] =	wrdreg $0xFFFFFFFF  }
0xb1: {  	s5 =	sadd.s32 s5, s6;
	[dreg:$0x0] =	wrdreg $0x60  }
0xb2: {  	[dreg:$0x2] =	wrdreg s5  }
0xb3: {  	[dreg:$0x3] =	wrdreg s4  }
0xb4: {  	[dreg:$0x4] =	wrdreg s14  }
0xb5: {  	[dreg:$0x5] =	wrdreg $0x9  }
0xb6: {  	_ =	task.clear_ibuf [dreg:s19], $0x6FFFF;
	_ =	strace $0x9000004C  }
0xb7: {  	s25 =	simm.s32 $0x9;
	_ =	strace $0x8000004E  }
0xb8: {  	_ =	swait.ge [sflag:s25], $0x1  }
0xb9: {  	[sflag:s25] =	ssyncadd.s32 $0xFFFFFFFF  }
0xba: {  	_ =	strace $0x9000004E  }
0xbb: {  	_ =	strace $0x8000004F;
	[dreg:$0x1] =	wrdreg $0xFFFFFFFF  }
0xbc: {  	[dreg:$0x0] =	wrdreg $0x2030  }
0xbd: {  	[dreg:$0x2] =	wrdreg s14  }
0xbe: {  	[dreg:$0x3] =	wrdreg s2  }
0xbf: {  	[dreg:$0x4] =	wrdreg s15  }
0xc0: {  	[dreg:$0x5] =	wrdreg $0xA  }
0xc1: {  	_ =	task.clear_ibuf [dreg:s19], $0x6FFFF;
	_ =	strace $0x9000004F  }
0xc2: {  	s26 =	simm.s32 $0xA;
	_ =	strace $0x80000051  }
0xc3: {  	_ =	swait.ge [sflag:s26], $0x1  }
0xc4: {  	[sflag:s26] =	ssyncadd.s32 $0xFFFFFFFF  }
0xc5: {  	_ =	strace $0x90000051  }
0xc6: {  	_ =	sfence  }
0xc7: {  	s28 =	sld [smem:$0x0];
	_ =	sdelay $0x1  }
0xc8: {  	s29 =	srdreg.scid  }
0xc9: {  	s30 =	sshll.u32 s29, $0xD;
	s31 =	sshrl.u32 s29, $0x2  }
0xca: {  	s3 =	sand.u32 $0x4000, s30;
	s2 =	sand.u32 $0x1, s29;
	s1 =	sadd.s32 s31, s28  }
0xcb: {  	s2 =	sor.u32 s3, s2;
	s1 =	sshll.u32 s1, $0x11  }
0xcc: {  	s1 =	sor.u32 s1, s2  }
0xcd: {  	s1 =	sadd.s32 $0x8F2B, s1  }
0xce: {  	[sflag:s1] =	ssyncadd.remote.s32 $0x1  }
0xcf: {  	_ =	sfence.sel $0xFFFF  }
0xd0: {  	[dreg:$0x0] =	wrdreg $0xFFFFFFFF;
	(pc) =	sbr.abs _section_cstart, $3  }
0xd1: {  	[dreg:$0x1] =	wrdreg $0xFFFFFFFF  }
0xd2: {  	_ =	task.clear_ibuf [dreg:s19], $0x2FFFF;
	_ =	strace $0x9FFFFFFF  }
0xd3: {  	(tm) =	ssettm $0x7FFFFFFF  }
tec
execute0_lowered:
.L_overlay_start_1:
0x0: {  	(tag) =	ssettag $0x1  }
0x1: {  	s0 =	rddreg [dreg:$0x0]  }
0x2: {  	s1 =	rddreg [dreg:$0x1]  }
0x3: {  	s2 =	rddreg [dreg:$0x2]  }
0x4: {  	s3 =	rddreg [dreg:$0x3];
	s4 =	stileid.u32  }
0x5: {  	[bflag:$0x3] =	sbarrier.arrive $0xFFFF;
	s5 =	simm.s32 $_size_execute1_lowered;
	p0 =	sne.s32 s4, $0x0  }
0x6: {  	s5 =	sshll.u32 s5, $0x1;
	s6 =	simm.s32 @!p0 $0x1C3F;
	s7 =	simm.s32 @!p0 $0x4060  }
0x7: {  	[timem:s7], [sflag:s6] =	dma.local @!p0 [hbm:s0], s5  }
0x8: {  	s26 =	simm.s32 $0x1;
	s28 =	simm.s32 $0x2;
	_ =	strace $0x8000004D  }
0x9: {  	s29 =	simm.s32 $0x0;
	s4 =	sshll.u32 s4, $0x4;
	[sflag:s26] =	ssyncpa.u1 $0x0  }
0xa: {  	s8 =	simm.s32 $0x80;
	s1 =	sadd.s32 s4, s1;
	[sflag:s28] =	ssyncpa.u1 $0x0  }
0xb: {  	[tilespmem:s8], [sflag:$0x1] =	stream.linear.gather [hbm4b:s1+s29], $0x80, $0x38;
	[tilespmem:$0x200] =	vst v63  }
0xc: {  	_ =	swait.ge [sflag:s26], $0x80  }
0xd: {  	[sflag:s26] =	ssyncset.done $0x0  }
0xe: {  	[sflag:s26] =	ssyncadd.s32 $0xFFFFFF80  }
0xf: {  	v0 =	vld [tilespmem:$0x80]  }
0x10: {  	v1 =	vld [tilespmem:$0x90]  }
0x11: {  	v2 =	vld [tilespmem:$0xA0]  }
0x12: {  	v3 =	vld [tilespmem:$0xB0]  }
0x13: {  	v4 =	vld [tilespmem:$0xC0]  }
0x14: {  	v61 =	vld [tilespmem:$0xD0];
	[tilespmem:$0x180] =	vst v0  }
0x15: {  	v62 =	vld [tilespmem:$0xE0];
	[tilespmem:$0x190] =	vst v1  }
0x16: {  	v63 =	vld [tilespmem:$0xF0];
	[tilespmem:$0x1A0] =	vst v2  }
0x17: {  	[tilespmem:$0x1B0] =	vst v3  }
0x18: {  	[tilespmem:$0x1C0] =	vst v4  }
0x19: {  	[tilespmem:$0x1D0] =	vst v61  }
0x1a: {  	[tilespmem:$0x1E0] =	vst v62  }
0x1b: {  	s31 =	simm.s32 $0x180;
	s30 =	sadd.s32 s2, s4;
	[tilespmem:$0x1F0] =	vst v63  }
0x1c: {  	[hbm4b:s30+s29] =	stream.linear.scatter [tilespmem:s31], [sflag:$0x2], $0x80, $0x38;
	[tilespmem:$0x200] =	vst v63  }
0x1d: {  	_ =	swait.ge [sflag:s28], $0x80  }
0x1e: {  	[sflag:s28] =	ssyncset.done $0x0  }
0x1f: {  	[sflag:s28] =	ssyncadd.s32 $0xFFFFFF80  }
0x20: {  	_ =	sfence.sel $0x180000  }
0x21: {  	[bflag:$0x0] =	sbarrier.arrive $0xFFFF  }
0x22: {  	[sflag:s26] =	ssyncpa.u1 $0x1  }
0x23: {  	[sflag:s28] =	ssyncpa.u1 $0x1  }
0x24: {  	_ =	strace $0x9000004D  }
0x25: {  	s0 =	sadd.s32 @!p0 $0x100000, s3;
	[bflag:$0x2] =	sbarrier.arrive $0xFFFF  }
0x26: {  	[sflag:s0] =	ssyncadd.tile.s32 @!p0 $0x1;
	s0 =	simm.s32 @!p0 $0x3F  }
0x27: {  	_ =	swait.ge @!p0 [sflag:s0], s5  }
0x28: {  	s1 =	ssub.s32 @!p0 $0x0, s5;
	[sflag:s0] =	ssyncset.done @!p0 $0x0  }
0x29: {  	[sflag:s0] =	ssyncadd.s32 @!p0 s1  }
0x2a: {  	[bflag:$0x3] =	sbarrier.arrive $0xFFFF  }
0x2b: {  	_ =	shalt  }
.Lfunc_end2:
execute1_lowered:
.L_overlay_start_2:
0x2c: {  	(tag) =	ssettag $0x2  }
0x2d: {  	s1 =	rddreg [dreg:$0x0]  }
0x2e: {  	s2 =	rddreg [dreg:$0x1]  }
0x2f: {  	s3 =	rddreg [dreg:$0x2]  }
0x30: {  	s0 =	rddreg [dreg:$0x3]  }
0x31: {  	s5 =	stileid.u32;
	_ =	strace $0x80000050;
	s6 =	simm.s32 $0x3E  }
0x32: {  	p0 =	sne.s32 s5, $0x0;
	[sflag:s6] =	ssyncpa.u1 $0x0  }
0x33: {  	s30 =	smin.u32 s5, $0x9;
	s4 =	simm.s32 @!p0 $0x1C3E;
	s7 =	simm.s32 @!p0 $0x0  }
0x34: {  	[spmem:s7], [sflag:s4] =	dma.local @!p0 [hbm:s1], $0x100  }
0x35: {  	s4 =	sadd.s32 s5, s30  }
0x36: {  	p1 =	slt.u32 s5, $0x9;
	s5 =	simm.s32 $0x3C0;
	s4 =	smul.u32 $0x1E0, s4  }
0x37: {  	s5 =	simm.s32 @!p1 $0x1E0  }
0x38: {  	s5 =	sadd.s32 s5, s4  }
0x39: {  	s5 =	smin.u32 s5, $0x2EE0  }
0x3a: {  	s8 =	ssub.s32 s5, s4  }
0x3b: {  	p1 =	sgt.s32 s8, $0x0  }
0x3c: {  	s8 =	simm.s32 @!p1 $0x0  }
0x3d: {  	s7 =	simm.s32 @!p0 $0x3E;
	s31 =	smul.u32 $0x8889, s8  }
0x3e: {  	_ =	swait.ge @!p0 [sflag:s7], $0x100  }
0x3f: {  	[sflag:s7] =	ssyncset.done @!p0 $0x0;
	s9 =	sshrl.u32 s31, $0x18  }
0x40: {  	[sflag:s7] =	ssyncadd.s32 @!p0 $0xFFFFFF00;
	s10 =	smul.u32 $0x1E0, s9  }
.Ltmp0:
0x41: {  	s11 =	simm.s32 $0x0;
	[bflag:$0x0] =	sbarrier.arrive $0xFFFF;
	(pc) =	sbr.rel .LBB3_1-.Ltmp0, $4  }
0x42: {  	s7 =	simm.s32 $0x2;
	[sflag:s6] =	ssyncpa.u1 $0x1;
	s6 =	simm.s32 $0x1  }
0x43: {  	[sflag:s6] =	ssyncpa.u1 $0x0;
	p1 =	sne.s32 s8, s10;
	s8 =	simm.s32 $0x1  }
0x44: {  	(ifvalue) =	ssetifvalue $0x800;
	[sflag:s7] =	ssyncpa.u1 $0x0;
	s8 =	simm.s32 @!p1 $0x0  }
0x45: {  	vm0 =	vmmov $0xffff;
	s10 =	smov.u32 s4;
	s8 =	sadd.s32 s9, s8;
	s9 =	simm.s32 $0x0  }
.LBB3_5:
0x46: {  	p2 =	sne.s32 s11, s8  }
.Ltmp1:
0x47: {  	_ = 	snop;
	(pc) =	sbr.rel @!p2 .LBB3_6-.Ltmp1, $4  }
0x48: {  	_ = 	snop  }
0x49: {  	s12 =	sadd.s32 $0x1E0, s10  }
0x4a: {  	s10 =	smov.u32 s4;
	s13 =	sadd.s32 $0x1, s11;
	p1 =	slt.s32 s12, s5  }
0x4b: {  	s11 =	smov.u32 s13;
	s10 =	smov.u32 @p1 s12  }
.LBB3_1:
0x4c: {  	p1 =	sge.u32 s11, s8  }
0x4d: {  	s12 =	sxor.u32 @!p1 $0xFFFFFFFF, s11  }
0x4e: {  	s12 =	sand.u32 @!p1 $0x1, s12  }
0x4f: {  	s12 =	smul.u32 @!p1 $0x1E0, s12  }
0x50: {  	s13 =	sshrl.u32 @!p1 s10, $0x3  }
0x51: {  	s16 =	sand.u32 @!p1 $0x7, s10;
	s14 =	sadd.s32 @!p1 s2, s13;
	s15 =	sadd.s32 @!p1 $0x80, s12  }
0x52: {  	[tilespmem:s15], [sflag:$0x2] =	stream.linear.gather @!p1 [hbm4b:s14+s16], $0x1E0, $0x38;
	[tilespmem:$0x800] =	vst v63  }
0x53: {  	s13 =	sadd.s32 @!p1 s3, s13;
	s12 =	sadd.s32 @!p1 $0x440, s12  }
0x54: {  	[tilespmem:s12], [sflag:$0x2] =	stream.linear.gather @!p1 [hbm4b:s13+s16], $0x1E0, $0x38;
	[tilespmem:$0x800] =	vst v63  }
0x55: {  	p1 =	seq.s32 s11, $0x0  }
.Ltmp2:
0x56: {  	_ = 	snop;
	(pc) =	sbr.rel @p1 .LBB3_5-.Ltmp2, $1  }
0x57: {  	_ =	sdelay $0x3  }
0x58: {  	s12 =	sand.u32 $0x1, s11  }
0x59: {  	_ =	swait.ge [sflag:s7], $0x3C0;
	p1 =	seq.s32 s12, $0x1;
	s12 =	simm.s32 $0x1E0  }
0x5a: {  	[sflag:s7] =	ssyncset.done $0x0;
	s12 =	simm.s32 @!p1 $0x0  }
0x5b: {  	[sflag:s7] =	ssyncadd.s32 $0xFFFFFC40;
	s14 =	sadd.s32 $0x80, s12  }
0x5c: {  	v0 =	vld.msk [tilespmem:s14+$0x0 ss:$0x1], $0xffff;
	_ =	sdelay $0x4  }
0x5d: {  	v0 =	vmin.u32 v0, $0x800;
	_ =	sdelay $0x3  }
0x5e: {  	s13 =	simm.s32 $0x0;
	s12 =	sadd.s32 $0x440, s12;
	s14 =	sadd.s32 $0x10, s14  }
0x5f: {  	[spmem:s9] =	stream.indirect_vreg.scatter.add.s32 [tilespmem:s12], [sflag:$0x1], $0x1, v0, vm0, $0x4038;
	[tilespmem:$0x800] =	vst v63  }
.LBB3_3:
0x60: {  	v0 =	vld.msk [tilespmem:s14+$0x0 ss:$0x1], $0xffff;
	s13 =	sadd.s32 $0x10, s13  }
0x61: {  	p1 =	slt.u32 s13, $0x1D0;
	_ =	sdelay $0x4  }
0x62: {  	v0 =	vmin.u32 v0, $0x800  }
.Ltmp3:
0x63: {  	(pc) =	sbr.rel @p1 .LBB3_3-.Ltmp3, $3  }
0x64: {  	_ =	sdelay $0x1  }
0x65: {  	s14 =	sadd.s32 $0x10, s14;
	s12 =	sadd.s32 $0x10, s12  }
0x66: {  	[spmem:s9] =	stream.indirect_vreg.scatter.add.s32 [tilespmem:s12], [sflag:$0x1], $0x1, v0, vm0, $0x4038;
	[tilespmem:$0x800] =	vst v63  }
.Ltmp4:
0x67: {  	(pc) =	sbr.rel .LBB3_5-.Ltmp4, $4  }
0x68: {  	_ = 	snop  }
0x69: {  	_ =	swait.ge [sflag:s6], $0x1E0  }
0x6a: {  	[sflag:s6] =	ssyncset.done $0x0  }
0x6b: {  	[sflag:s6] =	ssyncadd.s32 $0xFFFFFE20  }
.LBB3_6:
0x6c: {  	_ =	sfence.sel $0x180000  }
0x6d: {  	s2 =	simm.s32 $0x2;
	[bflag:$0x0] =	sbarrier.arrive $0xFFFF  }
0x6e: {  	s30 =	simm.s32 $0x1;
	[sflag:s2] =	ssyncpa.u1 $0x1  }
0x6f: {  	[sflag:s30] =	ssyncpa.u1 $0x1  }
0x70: {  	_ =	sfence.stream.spmem  }
0x71: {  	s31 =	simm.s32 $0x3D;
	[bflag:$0x0] =	sbarrier.arrive $0xFFFF  }
0x72: {  	s2 =	simm.s32 @p0 $0x3D;
	[sflag:s31] =	ssyncpa.u1 $0x0  }
0x73: {  	[sflag:s2] =	ssyncpa.u1 @p0 $0x1  }
0x74: {  	[bflag:$0x0] =	sbarrier.arrive @p0 $0xFFFF  }
0x75: {  	_ =	strace @p0 $0x90000050  }
0x76: {  	s3 =	simm.s32 @!p0 $0x1C3D;
	s2 =	simm.s32 @!p0 $0x0;
	[bflag:$0x2] =	sbarrier.arrive @p0 $0xFFFF  }
0x77: {  	[hbm:s1], [sflag:s3] =	dma.local @!p0 [spmem:s2], $0x100  }
0x78: {  	s1 =	simm.s32 @!p0 $0x3D  }
0x79: {  	_ =	swait.ge @!p0 [sflag:s1], $0x100  }
0x7a: {  	[sflag:s1] =	ssyncset.done @!p0 $0x0  }
0x7b: {  	[sflag:s1] =	ssyncadd.s32 @!p0 $0xFFFFFF00  }
0x7c: {  	[sflag:s1] =	ssyncpa.u1 @!p0 $0x1  }
0x7d: {  	[bflag:$0x0] =	sbarrier.arrive @!p0 $0xFFFF  }
0x7e: {  	_ =	strace @!p0 $0x90000050  }
0x7f: {  	s0 =	sadd.s32 @!p0 $0x100000, s0;
	[bflag:$0x2] =	sbarrier.arrive @!p0 $0xFFFF  }
0x80: {  	[sflag:s0] =	ssyncadd.tile.s32 @!p0 $0x1;
	_ =	shalt  }
.Lfunc_end3:
_tile_overlayer_lowered:
.L_overlay_start_3:
0x81: {  	(tag) =	ssettag $0x3  }
0x82: {  	s0 =	rddreg [dreg:$0x0];
	s2 =	stileid.u32  }
0x83: {  	s1 =	rddreg [dreg:$0x1];
	p0 =	sne.s32 s2, $0x0  }
0x84: {  	s3 =	rddreg [dreg:$0x2];
	[bflag:$0x3] =	sbarrier.arrive $0xFFFF;
	s2 =	simm.s32 @!p0 $0x1C01  }
0x85: {  	[timem:s3], [sflag:s2] =	dma.local @!p0 [hbm:s0], s1  }
0x86: {  	s0 =	simm.s32 @!p0 $0x1  }
0x87: {  	_ =	swait.ge @!p0 [sflag:s0], s1  }
0x88: {  	s1 =	ssub.s32 @!p0 $0x0, s1;
	[sflag:s0] =	ssyncset.done @!p0 $0x0  }
0x89: {  	[sflag:s0] =	ssyncadd.s32 @!p0 s1  }
0x8a: {  	[bflag:$0x3] =	sbarrier.arrive $0xFFFF  }
0x8b: {  	_ =	shalt  }

// kernel: scatter_offload_async_start
scs
__scs_entry_jumppad:
0x0: {  	(pc) =	sbr.rel $0x88, $3  }
0x1: {  	(tag) =	ssettag $0x0;
	lr =	simm.s32 $0x1  }
0x2: {  	[smem:$0x3F99] =	sst lr;
	_ =	strace $0xD0000000  }
0x3: {  	_ = 	snop  }
0x4: {  	_ = 	snop  }
0x5: {  	_ = 	snop  }
0x6: {  	_ = 	snop  }
0x7: {  	_ = 	snop  }
__scs_overlays_trampoline_lowered:
0x8: {  	[smem:$0x3FA8] =	sst s0  }
0x9: {  	[smem:$0x3FA9] =	sst s1  }
0xa: {  	[smem:$0x3FAA] =	sst s2  }
0xb: {  	[smem:$0x3FAB] =	sst s3  }
0xc: {  	[smem:$0x3FAC] =	sst s4  }
0xd: {  	[smem:$0x3FAD] =	sst s5  }
0xe: {  	[smem:$0x3FAE] =	sst s6  }
0xf: {  	[smem:$0x3FAF] =	sst s7  }
0x10: {  	[smem:$0x3FB0] =	sst s8  }
0x11: {  	[smem:$0x3FB1] =	sst s9;
	s0 =	simm.s32 @!p0 $0x0  }
0x12: {  	s1 =	sld [smem:$0x3F97];
	s0 =	simm.s32 @p0 $0x1  }
0x13: {  	[smem:$0x3FB2] =	sst s0;
	s0 =	simm.s32 @!p1 $0x0  }
0x14: {  	s2 =	sld [smem:$0x3F96];
	s0 =	simm.s32 @p1 $0x1  }
0x15: {  	[smem:$0x3FB3] =	sst s0;
	s0 =	simm.s32 @!p2 $0x0  }
0x16: {  	s3 =	sld [smem:$0x3FDB];
	s0 =	simm.s32 @p2 $0x1  }
0x17: {  	s4 =	simm.s32 $0x1BF5;
	[smem:$0x3FB5] =	sst s0  }
0x18: {  	s0 =	sld [smem:$0x3F98];
	_ =	swait.ge [sflag:s4], $0x0  }
0x19: {  	s7 =	sld [smem:$0x3F99]  }
0x1a: {  	s8 =	sadd.s32 $0xFFFFE003, lr  }
0x1b: {  	s9 =	sadd.s32 $0xFFFFFEF7, lr;
	s5 =	simm.s32 $0xFFFFFFFF;
	p2 =	slt.u32 s8, $0xFFFFF086  }
0x1c: {  	p1 =	slt.u32 s9, $0xF7A;
	s5 =	simm.s32 @!p2 $0x0  }
0x1d: {  	s5 =	simm.s32 @p1 $0x1;
	p0 =	seq.s32 s7, s2  }
0x1e: {  	s7 =	smul.u32 @!p0 $0xF7A, s2;
	p2 =	seq.s32 @!p0 s5, $0x0  }
0x1f: {  	s9 =	smul.u32 $0xF7A, s1;
	s8 =	simm.s32 @!p0 $0x1BF5;
	p2 =	por !p2, p0  }
0x20: {  	[sflag:s8] =	ssyncset.s32 @!p0 $0xFFFFF086;
	s6 =	sadd.s32 @!p0 s3, s7;
	s7 =	simm.s32 @!p0 $0x108  }
0x21: {  	s3 =	sadd.s32 s3, s9;
	s6 =	sadd.s32 @!p0 $0x88, s6;
	s7 =	simm.s32 @p2 $0x1082  }
0x22: {  	[simem:s7], [sflag:s8] =	dma.local @!p0 [hbm:s6], $0xF7A  }
0x23: {  	s9 =	sor.u32 $0xD0000000, s2;
	s6 =	simm.s32 $0x108;
	_ =	swait.ge @!p0 [sflag:s8], $0x0  }
0x24: {  	s3 =	sadd.s32 $0x88, s3;
	s6 =	simm.s32 @!p1 $0x1082;
	[sflag:s4] =	ssyncset.s32 $0xFFFFF086  }
0x25: {  	[simem:s6], [sflag:s4] =	dma.local [hbm:s3], $0xF7A  }
0x26: {  	[smem:$0x3F99] =	sst s1;
	(tag) =	ssettag s2;
	_ =	strace s9  }
0x27: {  	s1 =	sld [smem:$0x3FA9]  }
0x28: {  	s2 =	sld [smem:$0x3FAA]  }
0x29: {  	s4 =	sld [smem:$0x3FAC]  }
0x2a: {  	p0 =	seq.s32 s5, $0x0;
	s5 =	sld [smem:$0x3FAD]  }
0x2b: {  	s6 =	sld [smem:$0x3FAE]  }
0x2c: {  	s7 =	sld [smem:$0x3FAF]  }
0x2d: {  	s3 =	simm.s32 $0x108;
	s8 =	sld [smem:$0x3FB0]  }
0x2e: {  	s3 =	simm.s32 @!p0 $0x1082;
	s9 =	sld [smem:$0x3FB1]  }
0x2f: {  	lr =	sadd.s32 s0, s3;
	s0 =	sld [smem:$0x3FA8]  }
0x30: {  	s3 =	sld [smem:$0x3FAB]  }
0x31: {  	[smem:$0x3FB4] =	sst s10  }
0x32: {  	s10 =	sld [smem:$0x3FB2];
	_ =	sdelay $0x3  }
0x33: {  	p0 =	seq.s32 s10, $0x1;
	s10 =	sld [smem:$0x3FB4];
	_ =	sdelay $0x3  }
0x34: {  	[smem:$0x3FB4] =	sst s10  }
0x35: {  	s10 =	sld [smem:$0x3FB3];
	_ =	sdelay $0x3  }
0x36: {  	p1 =	seq.s32 s10, $0x1;
	s10 =	sld [smem:$0x3FB4];
	_ =	sdelay $0x3  }
0x37: {  	[smem:$0x3FB4] =	sst s10  }
0x38: {  	s10 =	sld [smem:$0x3FB5]  }
0x39: {  	_ = 	snop;
	(pc) =	sbr.ind lr, $3  }
0x3a: {  	_ = 	snop  }
0x3b: {  	_ = 	snop  }
0x3c: {  	p2 =	seq.s32 s10, $0x1;
	s10 =	sld [smem:$0x3FB4]  }
0x3d: {  	_ =	shalt  }
0x3e: {  	_ =	shalt  }
0x3f: {  	_ =	shalt  }
0x40: {  	_ =	shalt  }
0x41: {  	_ =	shalt  }
0x42: {  	_ =	shalt  }
0x43: {  	_ =	shalt  }
0x44: {  	_ =	shalt  }
0x45: {  	_ =	shalt  }
0x46: {  	_ =	shalt  }
0x47: {  	_ =	shalt  }
0x48: {  	_ =	shalt  }
0x49: {  	_ =	shalt  }
0x4a: {  	_ =	shalt  }
0x4b: {  	_ =	shalt  }
0x4c: {  	_ =	shalt  }
0x4d: {  	_ =	shalt  }
0x4e: {  	_ =	shalt  }
0x4f: {  	_ =	shalt  }
0x50: {  	_ =	shalt  }
0x51: {  	_ =	shalt  }
0x52: {  	_ =	shalt  }
0x53: {  	_ =	shalt  }
0x54: {  	_ =	shalt  }
0x55: {  	_ =	shalt  }
0x56: {  	_ =	shalt  }
0x57: {  	_ =	shalt  }
0x58: {  	_ =	shalt  }
0x59: {  	_ =	shalt  }
0x5a: {  	_ =	shalt  }
0x5b: {  	_ =	shalt  }
0x5c: {  	_ =	shalt  }
0x5d: {  	_ =	shalt  }
0x5e: {  	_ =	shalt  }
0x5f: {  	_ =	shalt  }
0x60: {  	_ =	shalt  }
0x61: {  	_ =	shalt  }
0x62: {  	_ =	shalt  }
0x63: {  	_ =	shalt  }
0x64: {  	_ =	shalt  }
0x65: {  	_ =	shalt  }
0x66: {  	_ =	shalt  }
0x67: {  	_ =	shalt  }
0x68: {  	_ =	shalt  }
0x69: {  	_ =	shalt  }
0x6a: {  	_ =	shalt  }
0x6b: {  	_ =	shalt  }
0x6c: {  	_ =	shalt  }
0x6d: {  	_ =	shalt  }
0x6e: {  	_ =	shalt  }
0x6f: {  	_ =	shalt  }
0x70: {  	_ =	shalt  }
0x71: {  	_ =	shalt  }
0x72: {  	_ =	shalt  }
0x73: {  	_ =	shalt  }
0x74: {  	_ =	shalt  }
0x75: {  	_ =	shalt  }
0x76: {  	_ =	shalt  }
0x77: {  	_ =	shalt  }
0x78: {  	_ =	shalt  }
0x79: {  	_ =	shalt  }
0x7a: {  	_ =	shalt  }
0x7b: {  	_ =	shalt  }
0x7c: {  	_ =	shalt  }
0x7d: {  	_ =	shalt  }
0x7e: {  	_ =	shalt  }
0x7f: {  	_ =	shalt  }
0x80: {  	_ =	shalt  }
0x81: {  	_ =	shalt  }
0x82: {  	_ =	shalt  }
0x83: {  	_ =	shalt  }
0x84: {  	_ =	shalt  }
0x85: {  	_ =	shalt  }
0x86: {  	_ =	shalt  }
0x87: {  	_ =	shalt  }
.Lfunc_end0:
.L_simem_size_0:
called_computation_lowered:
.L_overlay_start_0:
0x88: {  	s0 =	sld [smem:$0x3FD9]  }
0x89: {  	s1 =	sld [smem:$0x3FFE];
	_ =	sdelay $0x3  }
0x8a: {  	s0 =	sadd.s32 s1, s0  }
0x8b: {  	[smem:$0x3FC0] =	sst s0  }
0x8c: {  	_ = 	snop  }
0x8d: {  	s0 =	sld [smem:$0x3FD0];
	_ =	sdelay $0x2  }
0x8e: {  	s14 =	simm.s32 $0xB;
	s2 =	simm.s32 $0x10  }
0x8f: {  	[smem:s2], [sflag:s14] =	dma.local [hbm:s0], $0x1  }
0x90: {  	_ =	swait.eq [sflag:s14], $0x1  }
0x91: {  	s15 =	sld [smem:$0x11];
	[sflag:s14] =	ssyncset.done $0x0  }
0x92: {  	s16 =	sld [smem:$0x13];
	[sflag:s14] =	ssyncadd.s32 $0xFFFFFFFF  }
0x93: {  	s17 =	sld [smem:$0x14];
	(tm) =	ssettm $0x1  }
0x94: {  	s3 =	sld [smem:$0x3FFB];
	_ =	sdelay $0x3  }
0x95: {  	_ =	strace s3  }
0x96: {  	s3 =	sld [smem:$0x3FFC];
	_ =	sdelay $0x3  }
0x97: {  	_ =	strace s3  }
0x98: {  	s3 =	sld [smem:$0x3FFD];
	_ =	sdelay $0x3  }
0x99: {  	_ =	strace s3  }
0x9a: {  	_ =	strace $0x8FFFFFFF  }
0x9b: {  	s18 =	sld [smem:$0x3FDB];
	_ =	sdelay $0x1  }
0x9c: {  	s4 =	simm.s32 $_scs_section_size  }
0x9d: {  	s5 =	simm.s32 $_size__tile_overlayer_lowered;
	s6 =	simm.s32 $_tile_overlayer_lowered  }
0x9e: {  	s21 =	simm.s32 $0x1BFF;
	s20 =	sshll.u32 s6, $0x1;
	s3 =	sadd.s32 s4, s18  }
0x9f: {  	s7 =	simm.s32 $0x0;
	s19 =	sshll.u32 s5, $0x1;
	s5 =	sadd.s32 s20, s3  }
0xa0: {  	[timem:s7], [sflag:s21] =	dma.local [hbm:s5], s19  }
0xa1: {  	_ =	swait.ge [sflag:s21], s19  }
0xa2: {  	s4 =	ssub.s32 $0x0, s19;
	[sflag:s21] =	ssyncset.done $0x0  }
0xa3: {  	[sflag:s21] =	ssyncadd.s32 s4;
	_ =	sdelay $0x1  }
0xa4: {  	s22 =	simm.s32 $0x1B8B  }
0xa5: {  	_ =	swait.ge [sflag:s22], $0x1  }
0xa6: {  	[sflag:s22] =	ssyncset.done $0x0  }
0xa7: {  	s23 =	simm.s32 $0x1B8E;
	[sflag:s22] =	ssyncadd.s32 $0xFFFFFFFF  }
0xa8: {  	s24 =	simm.s32 $execute0_lowered;
	[smem:$0x3FD2] =	sst s23  }
0xa9: {  	s4 =	sshll.u32 s24, $0x1;
	_ =	strace $0x80000055;
	[dreg:$0x1] =	wrdreg $0xFFFFFFFF  }
0xaa: {  	s25 =	simm.s32 $_size_execute0_lowered;
	s3 =	sadd.s32 s3, s4;
	[dreg:$0x0] =	wrdreg $0x0  }
0xab: {  	s4 =	sshll.u32 s25, $0x1;
	[dreg:$0x2] =	wrdreg s3  }
0xac: {  	[dreg:$0x3] =	wrdreg s4  }
0xad: {  	[dreg:$0x4] =	wrdreg $0xC0  }
0xae: {  	_ =	task [dreg:s7], $0x5FFFF  }
0xaf: {  	[dreg:$0x1] =	wrdreg $0xFFFFFFFF  }
0xb0: {  	[dreg:$0x0] =	wrdreg $0x60  }
0xb1: {  	[dreg:$0x2] =	wrdreg s16  }
0xb2: {  	[dreg:$0x3] =	wrdreg s15  }
0xb3: {  	[dreg:$0x4] =	wrdreg s17  }
0xb4: {  	[dreg:$0x5] =	wrdreg $0x9  }
0xb5: {  	_ =	task.clear_ibuf [dreg:s7], $0x6FFFF;
	_ =	strace $0x90000055  }
0xb6: {  	s26 =	simm.s32 $0x9;
	_ =	strace $0x80000057  }
0xb7: {  	_ =	swait.ge [sflag:s26], $0x1  }
0xb8: {  	[sflag:s26] =	ssyncadd.s32 $0xFFFFFFFF  }
0xb9: {  	_ =	strace $0x90000057  }
0xba: {  	_ =	sfence  }
0xbb: {  	s28 =	sld [smem:$0x0];
	_ =	sdelay $0x1  }
0xbc: {  	s29 =	srdreg.scid  }
0xbd: {  	s30 =	sshll.u32 s29, $0xD;
	s31 =	sshrl.u32 s29, $0x2  }
0xbe: {  	s1 =	sand.u32 $0x1, s29;
	s2 =	sand.u32 $0x4000, s30;
	s0 =	sadd.s32 s31, s28  }
0xbf: {  	s1 =	sor.u32 s2, s1;
	s0 =	sshll.u32 s0, $0x11  }
0xc0: {  	s0 =	sor.u32 s0, s1  }
0xc1: {  	s0 =	sadd.s32 $0x8F2B, s0  }
0xc2: {  	[sflag:s0] =	ssyncadd.remote.s32 $0x1  }
0xc3: {  	_ =	sfence.sel $0xFFFF  }
0xc4: {  	[dreg:$0x0] =	wrdreg $0xFFFFFFFF;
	(pc) =	sbr.abs _section_cstart, $3  }
0xc5: {  	[dreg:$0x1] =	wrdreg $0xFFFFFFFF  }
0xc6: {  	_ =	task.clear_ibuf [dreg:s7], $0x2FFFF;
	_ =	strace $0x9FFFFFFF  }
0xc7: {  	(tm) =	ssettm $0x7FFFFFFF  }
tec
execute0_lowered:
.L_overlay_start_1:
0x0: {  	(tag) =	ssettag $0x1  }
0x1: {  	s1 =	rddreg [dreg:$0x0]  }
0x2: {  	s2 =	rddreg [dreg:$0x1]  }
0x3: {  	s3 =	rddreg [dreg:$0x2]  }
0x4: {  	s0 =	rddreg [dreg:$0x3]  }
0x5: {  	s5 =	stileid.u32;
	_ =	strace $0x80000056;
	s6 =	simm.s32 $0x3E  }
0x6: {  	p0 =	sne.s32 s5, $0x0;
	[sflag:s6] =	ssyncpa.u1 $0x0  }
0x7: {  	s30 =	smin.u32 s5, $0x9;
	s4 =	simm.s32 @!p0 $0x1C3E;
	s7 =	simm.s32 @!p0 $0x0  }
0x8: {  	[spmem:s7], [sflag:s4] =	dma.local @!p0 [hbm:s1], $0x100  }
0x9: {  	s4 =	sadd.s32 s5, s30  }
0xa: {  	p1 =	slt.u32 s5, $0x9;
	s5 =	simm.s32 $0x3C0;
	s4 =	smul.u32 $0x1E0, s4  }
0xb: {  	s5 =	simm.s32 @!p1 $0x1E0  }
0xc: {  	s5 =	sadd.s32 s5, s4  }
0xd: {  	s5 =	smin.u32 s5, $0x2EE0  }
0xe: {  	s8 =	ssub.s32 s5, s4  }
0xf: {  	p1 =	sgt.s32 s8, $0x0  }
0x10: {  	s8 =	simm.s32 @!p1 $0x0  }
0x11: {  	s7 =	simm.s32 @!p0 $0x3E;
	s31 =	smul.u32 $0x8889, s8  }
0x12: {  	_ =	swait.ge @!p0 [sflag:s7], $0x100  }
0x13: {  	[sflag:s7] =	ssyncset.done @!p0 $0x0;
	s9 =	sshrl.u32 s31, $0x18  }
0x14: {  	[sflag:s7] =	ssyncadd.s32 @!p0 $0xFFFFFF00;
	s10 =	smul.u32 $0x1E0, s9  }
.Ltmp0:
0x15: {  	s11 =	simm.s32 $0x0;
	[bflag:$0x0] =	sbarrier.arrive $0xFFFF;
	(pc) =	sbr.rel .LBB2_1-.Ltmp0, $4  }
0x16: {  	s7 =	simm.s32 $0x2;
	[sflag:s6] =	ssyncpa.u1 $0x1;
	s6 =	simm.s32 $0x1  }
0x17: {  	[sflag:s6] =	ssyncpa.u1 $0x0;
	p1 =	sne.s32 s8, s10;
	s8 =	simm.s32 $0x1  }
0x18: {  	(ifvalue) =	ssetifvalue $0x800;
	[sflag:s7] =	ssyncpa.u1 $0x0;
	s8 =	simm.s32 @!p1 $0x0  }
0x19: {  	vm0 =	vmmov $0xffff;
	s10 =	smov.u32 s4;
	s8 =	sadd.s32 s9, s8;
	s9 =	simm.s32 $0x0  }
.LBB2_5:
0x1a: {  	p2 =	sne.s32 s11, s8  }
.Ltmp1:
0x1b: {  	_ = 	snop;
	(pc) =	sbr.rel @!p2 .LBB2_6-.Ltmp1, $4  }
0x1c: {  	_ = 	snop  }
0x1d: {  	s12 =	sadd.s32 $0x1E0, s10  }
0x1e: {  	s10 =	smov.u32 s4;
	s13 =	sadd.s32 $0x1, s11;
	p1 =	slt.s32 s12, s5  }
0x1f: {  	s11 =	smov.u32 s13;
	s10 =	smov.u32 @p1 s12  }
.LBB2_1:
0x20: {  	p1 =	sge.u32 s11, s8  }
0x21: {  	s12 =	sxor.u32 @!p1 $0xFFFFFFFF, s11  }
0x22: {  	s12 =	sand.u32 @!p1 $0x1, s12  }
0x23: {  	s12 =	smul.u32 @!p1 $0x1E0, s12  }
0x24: {  	s13 =	sshrl.u32 @!p1 s10, $0x3  }
0x25: {  	s16 =	sand.u32 @!p1 $0x7, s10;
	s14 =	sadd.s32 @!p1 s2, s13;
	s15 =	sadd.s32 @!p1 $0x80, s12  }
0x26: {  	[tilespmem:s15], [sflag:$0x2] =	stream.linear.gather @!p1 [hbm4b:s14+s16], $0x1E0, $0x38;
	[tilespmem:$0x800] =	vst v63  }
0x27: {  	s13 =	sadd.s32 @!p1 s3, s13;
	s12 =	sadd.s32 @!p1 $0x440, s12  }
0x28: {  	[tilespmem:s12], [sflag:$0x2] =	stream.linear.gather @!p1 [hbm4b:s13+s16], $0x1E0, $0x38;
	[tilespmem:$0x800] =	vst v63  }
0x29: {  	p1 =	seq.s32 s11, $0x0  }
.Ltmp2:
0x2a: {  	_ = 	snop;
	(pc) =	sbr.rel @p1 .LBB2_5-.Ltmp2, $1  }
0x2b: {  	_ =	sdelay $0x3  }
0x2c: {  	s12 =	sand.u32 $0x1, s11  }
0x2d: {  	_ =	swait.ge [sflag:s7], $0x3C0;
	p1 =	seq.s32 s12, $0x1;
	s12 =	simm.s32 $0x1E0  }
0x2e: {  	[sflag:s7] =	ssyncset.done $0x0;
	s12 =	simm.s32 @!p1 $0x0  }
0x2f: {  	[sflag:s7] =	ssyncadd.s32 $0xFFFFFC40;
	s14 =	sadd.s32 $0x80, s12  }
0x30: {  	v0 =	vld.msk [tilespmem:s14+$0x0 ss:$0x1], $0xffff;
	_ =	sdelay $0x4  }
0x31: {  	v0 =	vmin.u32 v0, $0x800;
	_ =	sdelay $0x3  }
0x32: {  	s13 =	simm.s32 $0x0;
	s12 =	sadd.s32 $0x440, s12;
	s14 =	sadd.s32 $0x10, s14  }
0x33: {  	[spmem:s9] =	stream.indirect_vreg.scatter.add.s32 [tilespmem:s12], [sflag:$0x1], $0x1, v0, vm0, $0x4038;
	[tilespmem:$0x800] =	vst v63  }
.LBB2_3:
0x34: {  	v0 =	vld.msk [tilespmem:s14+$0x0 ss:$0x1], $0xffff;
	s13 =	sadd.s32 $0x10, s13  }
0x35: {  	p1 =	slt.u32 s13, $0x1D0;
	_ =	sdelay $0x4  }
0x36: {  	v0 =	vmin.u32 v0, $0x800  }
.Ltmp3:
0x37: {  	(pc) =	sbr.rel @p1 .LBB2_3-.Ltmp3, $3  }
0x38: {  	_ =	sdelay $0x1  }
0x39: {  	s14 =	sadd.s32 $0x10, s14;
	s12 =	sadd.s32 $0x10, s12  }
0x3a: {  	[spmem:s9] =	stream.indirect_vreg.scatter.add.s32 [tilespmem:s12], [sflag:$0x1], $0x1, v0, vm0, $0x4038;
	[tilespmem:$0x800] =	vst v63  }
.Ltmp4:
0x3b: {  	(pc) =	sbr.rel .LBB2_5-.Ltmp4, $4  }
0x3c: {  	_ = 	snop  }
0x3d: {  	_ =	swait.ge [sflag:s6], $0x1E0  }
0x3e: {  	[sflag:s6] =	ssyncset.done $0x0  }
0x3f: {  	[sflag:s6] =	ssyncadd.s32 $0xFFFFFE20  }
.LBB2_6:
0x40: {  	_ =	sfence.sel $0x180000  }
0x41: {  	s2 =	simm.s32 $0x2;
	[bflag:$0x0] =	sbarrier.arrive $0xFFFF  }
0x42: {  	s30 =	simm.s32 $0x1;
	[sflag:s2] =	ssyncpa.u1 $0x1  }
0x43: {  	[sflag:s30] =	ssyncpa.u1 $0x1  }
0x44: {  	_ =	sfence.stream.spmem  }
0x45: {  	s31 =	simm.s32 $0x3D;
	[bflag:$0x0] =	sbarrier.arrive $0xFFFF  }
0x46: {  	s2 =	simm.s32 @p0 $0x3D;
	[sflag:s31] =	ssyncpa.u1 $0x0  }
0x47: {  	[sflag:s2] =	ssyncpa.u1 @p0 $0x1  }
0x48: {  	[bflag:$0x0] =	sbarrier.arrive @p0 $0xFFFF  }
0x49: {  	_ =	strace @p0 $0x90000056  }
0x4a: {  	s3 =	simm.s32 @!p0 $0x1C3D;
	s2 =	simm.s32 @!p0 $0x0;
	[bflag:$0x2] =	sbarrier.arrive @p0 $0xFFFF  }
0x4b: {  	[hbm:s1], [sflag:s3] =	dma.local @!p0 [spmem:s2], $0x100  }
0x4c: {  	s1 =	simm.s32 @!p0 $0x3D  }
0x4d: {  	_ =	swait.ge @!p0 [sflag:s1], $0x100  }
0x4e: {  	[sflag:s1] =	ssyncset.done @!p0 $0x0  }
0x4f: {  	[sflag:s1] =	ssyncadd.s32 @!p0 $0xFFFFFF00  }
0x50: {  	[sflag:s1] =	ssyncpa.u1 @!p0 $0x1  }
0x51: {  	[bflag:$0x0] =	sbarrier.arrive @!p0 $0xFFFF  }
0x52: {  	_ =	strace @!p0 $0x90000056  }
0x53: {  	s0 =	sadd.s32 @!p0 $0x100000, s0;
	[bflag:$0x2] =	sbarrier.arrive @!p0 $0xFFFF  }
0x54: {  	[sflag:s0] =	ssyncadd.tile.s32 @!p0 $0x1;
	_ =	shalt  }
.Lfunc_end2:
_tile_overlayer_lowered:
.L_overlay_start_2:
0x55: {  	(tag) =	ssettag $0x2  }
0x56: {  	s0 =	rddreg [dreg:$0x0];
	s2 =	stileid.u32  }
0x57: {  	s1 =	rddreg [dreg:$0x1];
	p0 =	sne.s32 s2, $0x0  }
0x58: {  	s3 =	rddreg [dreg:$0x2];
	[bflag:$0x3] =	sbarrier.arrive $0xFFFF;
	s2 =	simm.s32 @!p0 $0x1C01  }
0x59: {  	[timem:s3], [sflag:s2] =	dma.local @!p0 [hbm:s0], s1  }
0x5a: {  	s0 =	simm.s32 @!p0 $0x1  }
0x5b: {  	_ =	swait.ge @!p0 [sflag:s0], s1  }
0x5c: {  	s1 =	ssub.s32 @!p0 $0x0, s1;
	[sflag:s0] =	ssyncset.done @!p0 $0x0  }
0x5d: {  	[sflag:s0] =	ssyncadd.s32 @!p0 s1  }
0x5e: {  	[bflag:$0x3] =	sbarrier.arrive $0xFFFF  }
0x5f: {  	_ =	shalt  }

</sc_bundles>
